<compile_context>
chip_gen: v7x
topology: tpu7x:2x2x1
jax: 0.10.2.dev20260603
libtpu: 0.0.44.dev20260713+nightly
codegen_flags: <defaults>
</compile_context>

<pallas_src>
import jax
import jax.numpy as jnp
from jax.experimental import pallas as pl
from jax.experimental.pallas import tpu as pltpu
from jax.experimental.pallas import tpu_sc as plsc

KS = 15
FD = 96
FS = 160
OV = 40
ML = 256
PADL = 7
LGL = 10 * 0.11512925464970229
FGA = 6 * 0.11512925464970229
NF = 100
L_OUT = FS + OV
RW = 128
RPP = 3
XP_LEN = 16512
XP_ROWS = XP_LEN // RW
NPB = 112
NIDX = RPP * NPB
IDXN = 2 * 384


def _sc_gather(xp_rows, lags_hbm, xx0, xx1, xx2, lag_v, idx_v, buf_v, sem):
    s = jax.lax.axis_index("s")
    b0 = s * 2
    pltpu.sync_copy(lags_hbm.at[pl.ds(b0, 2)], lag_v)

    zero16 = jnp.zeros((16,), jnp.int32)
    for z in range((IDXN - 2 * NIDX) // 16):
        idx_v[pl.ds(2 * NIDX + z * 16, 16)] = zero16

    for bi in range(2):
        base = (b0 + bi) * XP_ROWS
        for k in range(NPB // 16):
            i16 = jax.lax.iota(jnp.int32, 16) + (k * 16)
            lag16 = lag_v[bi, pl.ds(k * 16, 16)]
            start16 = i16 * FS + ML - lag16
            ar16 = jax.lax.shift_right_logical(start16, 7)
            row16 = jnp.where(i16 < NF, base + ar16, base)
            for r in range(RPP):
                idx_v[pl.ds(bi * NIDX + r * NPB + k * 16, 16)] = row16 + r

    cp = pltpu.make_async_copy(xp_rows.at[idx_v], buf_v, sem)
    cp.start()
    cp.wait()

    outs = (xx0, xx1, xx2)
    for bi in range(2):
        for r in range(RPP):
            pltpu.sync_copy(
                buf_v.at[pl.ds(bi * NIDX + r * NPB, NPB)],
                outs[r].at[pl.ds((b0 + bi) * NPB, NPB)])


def _tc_kernel(xx0_ref, xx1_ref, xx2_ref, feats_ref, lagsv_ref, xs_ref,
               wall_ref, ball_ref, win1_ref, win2_ref, out_ref):
    R = xx0_ref.shape[0]

    p = jnp.dot(feats_ref[...], wall_ref[...],
                preferred_element_type=jnp.float32)
    p = p + ball_ref[...]
    ck = p[:, :KS]
    nrm = jnp.sqrt(jnp.sum(ck * ck, axis=-1, keepdims=True))
    ck = ck / (1e-6 + nrm)
    cg = jnp.exp(-jax.nn.relu(p[:, KS:KS + 1]) + LGL)
    gg = jnp.exp(FGA * jnp.tanh(p[:, KS + 1:KS + 2]))

    w = jnp.concatenate(
        [xx0_ref[...], xx1_ref[...], xx2_ref[...]], axis=1)
    lags = lagsv_ref[...]
    row_iota = jax.lax.broadcasted_iota(jnp.int32, (R, 1), 0)
    i_col = jax.lax.rem(row_iota, NPB)
    rem = (i_col * FS + ML - lags) & (RW - 1)
    for kbit in (64, 32, 16, 8, 4, 2, 1):
        wsh = jnp.concatenate(
            [w[:, kbit:], jnp.zeros((R, kbit), jnp.float32)], axis=1)
        w = jnp.where((rem & kbit) != 0, wsh, w)

    nc = jnp.zeros((R, L_OUT), dtype=jnp.float32)
    for m in range(KS):
        nc = nc + ck[:, m:m + 1] * w[:, m:m + L_OUT]

    nc = gg * (nc * cg + xs_ref[...])

    prev_tail = jnp.concatenate(
        [jnp.zeros((1, OV), jnp.float32), nc[:R - 1, FS:FS + OV]], axis=0)
    prev_tail = jnp.where(i_col == 0, 0.0, prev_tail)
    head = nc[:, :OV] * win1_ref[...] + prev_tail * win2_ref[...]
    out_ref[...] = jnp.concatenate([head, nc[:, OV:FS]], axis=1)


def kernel(x, features, lags, Wk, bk, Wg, bg, Wgg, bgg, overlap_win):
    B = x.shape[0]
    R = B * NPB
    lags = lags.astype(jnp.int32)

    xp = jnp.zeros((B, XP_LEN), dtype=jnp.float32)
    xp = jax.lax.dynamic_update_slice(xp, x[:, 0, :], (0, ML + PADL))
    xp_rows = xp.reshape(B * XP_ROWS, RW)

    lags_pad = jnp.pad(lags, ((0, 0), (0, NPB - NF)))

    mesh = plsc.VectorSubcoreMesh(
        core_axis_name="c", subcore_axis_name="s", num_cores=1)
    xx0, xx1, xx2 = pl.kernel(
        _sc_gather,
        out_type=[jax.ShapeDtypeStruct((R, RW), jnp.float32)] * RPP,
        mesh=mesh,
        scratch_types=[
            pltpu.VMEM((2, NPB), jnp.int32),
            pltpu.VMEM((IDXN,), jnp.int32),
            pltpu.VMEM((IDXN, RW), jnp.float32),
            pltpu.SemaphoreType.DMA,
        ],
    )(xp_rows, lags_pad)

    xr = x[:, 0, :].reshape(B, NF, FS)
    nxt = jnp.concatenate(
        [xr[:, 1:, :OV], jnp.zeros((B, 1, OV), jnp.float32)], axis=1)
    xs = jnp.concatenate([xr, nxt], axis=-1)
    xs_pad = jnp.pad(xs, ((0, 0), (0, NPB - NF), (0, 0))).reshape(R, L_OUT)
    feats_pad = jnp.pad(
        features, ((0, 0), (0, NPB - NF), (0, 0))).reshape(R, FD)
    lagsv = jnp.pad(lags, ((0, 0), (0, NPB - NF))).reshape(R, 1)

    wall = jnp.concatenate([Wk, Wg, Wgg], axis=0).T
    ball = jnp.concatenate(
        [bk, bg, bgg]).astype(jnp.float32).reshape(1, KS + 2)
    win2 = overlap_win.reshape(1, OV)
    win1 = win2[:, ::-1]

    RC = 8 * NPB
    out = pl.pallas_call(
        _tc_kernel,
        grid=(R // RC,),
        in_specs=[
            pl.BlockSpec((RC, RW), lambda i: (i, 0)),
            pl.BlockSpec((RC, RW), lambda i: (i, 0)),
            pl.BlockSpec((RC, RW), lambda i: (i, 0)),
            pl.BlockSpec((RC, FD), lambda i: (i, 0)),
            pl.BlockSpec((RC, 1), lambda i: (i, 0)),
            pl.BlockSpec((RC, L_OUT), lambda i: (i, 0)),
            pl.BlockSpec((FD, KS + 2), lambda i: (0, 0)),
            pl.BlockSpec((1, KS + 2), lambda i: (0, 0)),
            pl.BlockSpec((1, OV), lambda i: (0, 0)),
            pl.BlockSpec((1, OV), lambda i: (0, 0)),
        ],
        out_specs=pl.BlockSpec((RC, FS), lambda i: (i, 0)),
        out_shape=jax.ShapeDtypeStruct((R, FS), jnp.float32),
    )(xx0, xx1, xx2, feats_pad, lagsv, xs_pad, wall, ball, win1, win2)

    out = out.reshape(B, NPB, FS)[:, :NF, :]
    return out.reshape(B, 1, NF * FS)

# --- scband reference (transcript-rebuilt; emitter-appended) ---
"""Pipeline reference for scband-limited-adaptive-comb1d-46170898432118 (READ-ONLY COPY).

The authoritative reference and input builder live on the scoring server;
editing this copy changes nothing except your own understanding.
"""

import jax, jax.numpy as jnp
import numpy as np

KS = 15
FD = 96
FS = 160
OV = 40
ML = 256
PAD = (7, 7)
LGL = 10 * 0.11512925464970229
FGA = 6 * 0.11512925464970229
FGB = 0.0


def setup_inputs(seed: int = 0):
    key = jax.random.key(seed)
    ks = jax.random.split(key, 10)
    B, NF = 32, 100
    NS = NF * FS
    x = jax.random.normal(ks[0], (B, 1, NS), dtype=jnp.float32)
    features = jax.random.normal(ks[1], (B, NF, FD), dtype=jnp.float32)
    lags = jax.random.randint(ks[2], (B, NF), 0, 256)
    s = 1.0 / np.sqrt(FD)
    Wk = jax.random.uniform(ks[3], (KS, FD), minval=-s, maxval=s, dtype=jnp.float32)
    bk = jax.random.uniform(ks[4], (KS,), minval=-s, maxval=s, dtype=jnp.float32)
    Wg = jax.random.uniform(ks[5], (1, FD), minval=-s, maxval=s, dtype=jnp.float32)
    bg = jnp.full((1,), 4.0 + LGL, dtype=jnp.float32)
    Wgg = jax.random.uniform(ks[6], (1, FD), minval=-s, maxval=s, dtype=jnp.float32)
    bgg = jax.random.uniform(ks[7], (1,), minval=-s, maxval=s, dtype=jnp.float32)
    overlap_win = (0.5 + 0.5 * jnp.cos((jnp.arange(OV) + 0.5) * jnp.pi / OV)).astype(jnp.float32)
    return {"x": x, "features": features, "lags": lags, "Wk": Wk, "bk": bk, "Wg": Wg, "bg": bg, "Wgg": Wgg, "bgg": bgg, "overlap_win": overlap_win}


def reference(x, features, lags, Wk, bk, Wg, bg, Wgg, bgg, overlap_win):
    B = x.shape[0]
    NF = features.shape[1]
    # frame-wise kernels, normalized (norm_p = 2)
    ck = features @ Wk.T + bk  # (B, NF, KS)
    ck = ck / (1e-6 + jnp.linalg.norm(ck, ord=2, axis=-1, keepdims=True))
    # filter gains
    cg = jnp.exp(-jax.nn.relu(features @ Wg.T + bg) + LGL)  # (B, NF, 1)
    cg = jnp.transpose(cg, (0, 2, 1))  # (B, 1, NF)
    gg = jnp.exp(FGA * jnp.tanh(features @ Wgg.T + bgg) + FGB)
    gg = jnp.transpose(gg, (0, 2, 1))  # (B, 1, NF)
    win2 = overlap_win
    win1 = win2[::-1]
    xp = jnp.pad(x, ((0, 0), (0, 0), (PAD[0], PAD[1])))
    xp = jnp.pad(xp, ((0, 0), (0, 0), (ML, OV)))
    L = FS + KS - 1 + OV
    idx = jnp.arange(L).reshape(1, 1, -1)
    offset = ML + PAD[0]
    out_len = FS + OV
    overlap_mem = jnp.zeros((B, 1, OV), dtype=x.dtype)
    outs = []
    for i in range(NF):
        cidx = idx + i * FS + ML - lags[:, i].reshape(B, 1, 1)
        xx = jnp.take_along_axis(xp, cidx, axis=-1)  # (B, 1, L)
        ker = ck[:, i, :]  # (B, KS)
        nc = jnp.zeros((B, out_len), dtype=x.dtype)
        for j in range(KS):
            nc = nc + xx[:, 0, j:j + out_len] * ker[:, j:j + 1]
        nc = nc[:, None, :]
        xs = xp[..., offset + i * FS: offset + (i + 1) * FS + OV]
        nc = gg[:, :, i:i + 1] * (nc * cg[:, :, i:i + 1] + xs)
        outs.append(nc[:, :, :OV] * win1 + overlap_mem * win2)
        outs.append(nc[:, :, OV:FS])
        overlap_mem = nc[:, :, FS:]
    return jnp.concatenate(outs, axis=-1)

if __name__ == "__main__":
    import jax
    _d = setup_inputs()
    print(jax.jit(kernel)(*tuple(_d.values())))

</pallas_src>

<mosaic_0001>
#map = affine_map<(d0, d1) -> (0, 0)>
module attributes {stable_mosaic.version = 14 : i64} {
  func.func @_sc_gather(%arg0: i32, %arg1: i32, %arg2: memref<4128x128xf32, #tpu.memory_space<hbm>>, %arg3: memref<32x112xi32, #tpu.memory_space<hbm>>, %arg4: memref<3584x128xf32, #tpu.memory_space<hbm>>, %arg5: memref<3584x128xf32, #tpu.memory_space<hbm>>, %arg6: memref<3584x128xf32, #tpu.memory_space<hbm>>, %arg7: memref<2x112xi32, #tpu.memory_space<vmem>>, %arg8: memref<768xi32, #tpu.memory_space<vmem>>, %arg9: memref<768x128xf32, #tpu.memory_space<vmem>>, %arg10: memref<!tpu.dma_semaphore, #tpu.memory_space<semaphore_mem>>) attributes {dimension_semantics = [#tpu.dimension_semantics<core_parallel>, #tpu.dimension_semantics<subcore_parallel>], iteration_bounds = array<i64: 1, 16>, scalar_prefetch = 0 : i64, scratch_operands = 4 : i64, tpu.core_type = #tpu.core_type<sc_vector_subcore>, window_params = [{transform_indices = #map}, {transform_indices = #map}, {transform_indices = #map}, {transform_indices = #map}, {transform_indices = #map}]} {
    %mul3A = arith.constant 2 : i32
    %mul3A_0 = arith.muli %arg1, %mul3A : i32
    "tpu.region"() ({
      %run_scoped3A = tpu.sem_alloc : memref<!tpu.dma_semaphore, #tpu.memory_space<semaphore_mem>>
      %dma_start3A_712 = arith.constant 0 : i32
      %dma_start3A_713 = tpu.memref_slice %arg3[%mul3A_0, %dma_start3A_712] : memref<32x112xi32, #tpu.memory_space<hbm>> -> memref<2x112xi32, #tpu.memory_space<hbm>>
      %dma_start3A_714 = arith.constant 0 : i32
      %dma_start3A_715 = tpu.memref_slice %arg3[%mul3A_0, %dma_start3A_714] : memref<32x112xi32, #tpu.memory_space<hbm>> -> memref<2x112xi32, #tpu.memory_space<hbm>>
      tpu.enqueue_dma source(%dma_start3A_715 : memref<2x112xi32, #tpu.memory_space<hbm>>) target(%arg7 : memref<2x112xi32, #tpu.memory_space<vmem>>) target_semaphore(%run_scoped3A : memref<!tpu.dma_semaphore, #tpu.memory_space<semaphore_mem>>)
      %dma_wait3A_716 = arith.constant 0 : i32
      %dma_wait3A_717 = tpu.memref_slice %arg3[%mul3A_0, %dma_wait3A_716] : memref<32x112xi32, #tpu.memory_space<hbm>> -> memref<2x112xi32, #tpu.memory_space<hbm>>
      %dma_wait3A_718 = arith.constant 0 : i32
      %dma_wait3A_719 = tpu.memref_slice %arg3[%mul3A_0, %dma_wait3A_718] : memref<32x112xi32, #tpu.memory_space<hbm>> -> memref<2x112xi32, #tpu.memory_space<hbm>>
      tpu.wait_dma2 semaphore(%run_scoped3A : memref<!tpu.dma_semaphore, #tpu.memory_space<semaphore_mem>>) src(%dma_wait3A_719 : memref<2x112xi32, #tpu.memory_space<hbm>>) dst(%arg7 : memref<2x112xi32, #tpu.memory_space<vmem>>)
      tpu.yield
    }) : () -> ()
    %broadcast_in_dim3A = arith.constant 0 : i32
    %broadcast_in_dim3A_1 = vector.broadcast %broadcast_in_dim3A : i32 to vector<16xi32>
    %swap3A = arith.constant 672 : index
    %swap3A_2 = tpu.vector_load %arg8[%swap3A] {strides = array<i32>} : memref<768xi32, #tpu.memory_space<vmem>>, vector<16xi32>,
    %swap3A_3 = vector.shape_cast %swap3A_2 : vector<16xi32> to vector<16xi32>
    %swap3A_4 = vector.shape_cast %broadcast_in_dim3A_1 : vector<16xi32> to vector<16xi32>
    tpu.vector_store %arg8[%swap3A], %swap3A_4 {strides = array<i32>} : memref<768xi32, #tpu.memory_space<vmem>>, vector<16xi32>,
    %swap3A_5 = arith.constant 688 : index
    %swap3A_6 = tpu.vector_load %arg8[%swap3A_5] {strides = array<i32>} : memref<768xi32, #tpu.memory_space<vmem>>, vector<16xi32>,
    %swap3A_7 = vector.shape_cast %swap3A_6 : vector<16xi32> to vector<16xi32>
    %swap3A_8 = vector.shape_cast %broadcast_in_dim3A_1 : vector<16xi32> to vector<16xi32>
    tpu.vector_store %arg8[%swap3A_5], %swap3A_8 {strides = array<i32>} : memref<768xi32, #tpu.memory_space<vmem>>, vector<16xi32>,
    %swap3A_9 = arith.constant 704 : index
    %swap3A_10 = tpu.vector_load %arg8[%swap3A_9] {strides = array<i32>} : memref<768xi32, #tpu.memory_space<vmem>>, vector<16xi32>,
    %swap3A_11 = vector.shape_cast %swap3A_10 : vector<16xi32> to vector<16xi32>
    %swap3A_12 = vector.shape_cast %broadcast_in_dim3A_1 : vector<16xi32> to vector<16xi32>
    tpu.vector_store %arg8[%swap3A_9], %swap3A_12 {strides = array<i32>} : memref<768xi32, #tpu.memory_space<vmem>>, vector<16xi32>,
    %swap3A_13 = arith.constant 720 : index
    %swap3A_14 = tpu.vector_load %arg8[%swap3A_13] {strides = array<i32>} : memref<768xi32, #tpu.memory_space<vmem>>, vector<16xi32>,
    %swap3A_15 = vector.shape_cast %swap3A_14 : vector<16xi32> to vector<16xi32>
    %swap3A_16 = vector.shape_cast %broadcast_in_dim3A_1 : vector<16xi32> to vector<16xi32>
    tpu.vector_store %arg8[%swap3A_13], %swap3A_16 {strides = array<i32>} : memref<768xi32, #tpu.memory_space<vmem>>, vector<16xi32>,
    %swap3A_17 = arith.constant 736 : index
    %swap3A_18 = tpu.vector_load %arg8[%swap3A_17] {strides = array<i32>} : memref<768xi32, #tpu.memory_space<vmem>>, vector<16xi32>,
    %swap3A_19 = vector.shape_cast %swap3A_18 : vector<16xi32> to vector<16xi32>
    %swap3A_20 = vector.shape_cast %broadcast_in_dim3A_1 : vector<16xi32> to vector<16xi32>
    tpu.vector_store %arg8[%swap3A_17], %swap3A_20 {strides = array<i32>} : memref<768xi32, #tpu.memory_space<vmem>>, vector<16xi32>,
    %swap3A_21 = arith.constant 752 : index
    %swap3A_22 = tpu.vector_load %arg8[%swap3A_21] {strides = array<i32>} : memref<768xi32, #tpu.memory_space<vmem>>, vector<16xi32>,
    %swap3A_23 = vector.shape_cast %swap3A_22 : vector<16xi32> to vector<16xi32>
    %swap3A_24 = vector.shape_cast %broadcast_in_dim3A_1 : vector<16xi32> to vector<16xi32>
    tpu.vector_store %arg8[%swap3A_21], %swap3A_24 {strides = array<i32>} : memref<768xi32, #tpu.memory_space<vmem>>, vector<16xi32>,
    %add3A = arith.constant 0 : i32
    %add3A_25 = arith.addi %mul3A_0, %add3A : i32
    %mul3A_26 = arith.constant 129 : i32
    %mul3A_27 = arith.muli %add3A_25, %mul3A_26 : i32
    %iota3A = tpu.iota {dimensions = array<i32: 0>} : vector<16xi32>
    %add3A_28 = arith.constant 0 : i32
    %add3A_29 = vector.broadcast %add3A_28 : i32 to vector<16xi32>
    %add3A_30 = arith.addi %iota3A, %add3A_29 : vector<16xi32>
    %get3A = arith.constant 0 : i32
    %get3A_31 = arith.index_cast %get3A : i32 to index
    %get3A_32 = arith.constant 0 : index
    %get3A_33 = tpu.vector_load %arg7[%get3A_31, %get3A_32] {strides = array<i32>} : memref<2x112xi32, #tpu.memory_space<vmem>>, vector<1x16xi32>,
    %get3A_34 = vector.shape_cast %get3A_33 : vector<1x16xi32> to vector<16xi32>
    %mul3A_35 = arith.constant 160 : i32
    %mul3A_36 = vector.broadcast %mul3A_35 : i32 to vector<16xi32>
    %mul3A_37 = arith.muli %add3A_30, %mul3A_36 : vector<16xi32>
    %add3A_38 = arith.constant 256 : i32
    %add3A_39 = vector.broadcast %add3A_38 : i32 to vector<16xi32>
    %add3A_40 = arith.addi %mul3A_37, %add3A_39 : vector<16xi32>
    %sub3A = arith.subi %add3A_40, %get3A_34 : vector<16xi32>
    %shift_right_logical3A = arith.constant 7 : i32
    %shift_right_logical3A_41 = vector.broadcast %shift_right_logical3A : i32 to vector<16xi32>
    %shift_right_logical3A_42 = arith.shrui %sub3A, %shift_right_logical3A_41 : vector<16xi32>
    %lt3A = arith.constant 100 : i32
    %lt3A_43 = vector.broadcast %lt3A : i32 to vector<16xi32>
    %lt3A_44 = arith.cmpi slt, %add3A_30, %lt3A_43 : vector<16xi32>
    %add3A_45 = vector.broadcast %mul3A_27 : i32 to vector<16xi32>
    %add3A_46 = arith.addi %add3A_45, %shift_right_logical3A_42 : vector<16xi32>
    %broadcast_in_dim3A_47 = vector.broadcast %mul3A_27 : i32 to vector<16xi32>
    %select_n3A = arith.select %lt3A_44, %add3A_46, %broadcast_in_dim3A_47 : vector<16xi1>, vector<16xi32>
    %add3A_48 = arith.constant 0 : i32
    %add3A_49 = vector.broadcast %add3A_48 : i32 to vector<16xi32>
    %add3A_50 = arith.addi %select_n3A, %add3A_49 : vector<16xi32>
    %swap3A_51 = arith.constant 0 : index
    %swap3A_52 = tpu.vector_load %arg8[%swap3A_51] {strides = array<i32>} : memref<768xi32, #tpu.memory_space<vmem>>, vector<16xi32>,
    %swap3A_53 = vector.shape_cast %swap3A_52 : vector<16xi32> to vector<16xi32>
    %swap3A_54 = vector.shape_cast %add3A_50 : vector<16xi32> to vector<16xi32>
    tpu.vector_store %arg8[%swap3A_51], %swap3A_54 {strides = array<i32>} : memref<768xi32, #tpu.memory_space<vmem>>, vector<16xi32>,
    %add3A_55 = arith.constant 1 : i32
    %add3A_56 = vector.broadcast %add3A_55 : i32 to vector<16xi32>
    %add3A_57 = arith.addi %select_n3A, %add3A_56 : vector<16xi32>
    %swap3A_58 = arith.constant 112 : index
    %swap3A_59 = tpu.vector_load %arg8[%swap3A_58] {strides = array<i32>} : memref<768xi32, #tpu.memory_space<vmem>>, vector<16xi32>,
    %swap3A_60 = vector.shape_cast %swap3A_59 : vector<16xi32> to vector<16xi32>
    %swap3A_61 = vector.shape_cast %add3A_57 : vector<16xi32> to vector<16xi32>
    tpu.vector_store %arg8[%swap3A_58], %swap3A_61 {strides = array<i32>} : memref<768xi32, #tpu.memory_space<vmem>>, vector<16xi32>,
    %add3A_62 = arith.constant 2 : i32
    %add3A_63 = vector.broadcast %add3A_62 : i32 to vector<16xi32>
    %add3A_64 = arith.addi %select_n3A, %add3A_63 : vector<16xi32>
    %swap3A_65 = arith.constant 224 : index
    %swap3A_66 = tpu.vector_load %arg8[%swap3A_65] {strides = array<i32>} : memref<768xi32, #tpu.memory_space<vmem>>, vector<16xi32>,
    %swap3A_67 = vector.shape_cast %swap3A_66 : vector<16xi32> to vector<16xi32>
    %swap3A_68 = vector.shape_cast %add3A_64 : vector<16xi32> to vector<16xi32>
    tpu.vector_store %arg8[%swap3A_65], %swap3A_68 {strides = array<i32>} : memref<768xi32, #tpu.memory_space<vmem>>, vector<16xi32>,
    %iota3A_69 = tpu.iota {dimensions = array<i32: 0>} : vector<16xi32>
    %add3A_70 = arith.constant 16 : i32
    %add3A_71 = vector.broadcast %add3A_70 : i32 to vector<16xi32>
    %add3A_72 = arith.addi %iota3A_69, %add3A_71 : vector<16xi32>
    %get3A_73 = arith.constant 0 : i32
    %get3A_74 = arith.index_cast %get3A_73 : i32 to index
    %get3A_75 = arith.constant 16 : index
    %get3A_76 = tpu.vector_load %arg7[%get3A_74, %get3A_75] {strides = array<i32>} : memref<2x112xi32, #tpu.memory_space<vmem>>, vector<1x16xi32>,
    %get3A_77 = vector.shape_cast %get3A_76 : vector<1x16xi32> to vector<16xi32>
    %mul3A_78 = arith.constant 160 : i32
    %mul3A_79 = vector.broadcast %mul3A_78 : i32 to vector<16xi32>
    %mul3A_80 = arith.muli %add3A_72, %mul3A_79 : vector<16xi32>
    %add3A_81 = arith.constant 256 : i32
    %add3A_82 = vector.broadcast %add3A_81 : i32 to vector<16xi32>
    %add3A_83 = arith.addi %mul3A_80, %add3A_82 : vector<16xi32>
    %sub3A_84 = arith.subi %add3A_83, %get3A_77 : vector<16xi32>
    %shift_right_logical3A_85 = arith.constant 7 : i32
    %shift_right_logical3A_86 = vector.broadcast %shift_right_logical3A_85 : i32 to vector<16xi32>
    %shift_right_logical3A_87 = arith.shrui %sub3A_84, %shift_right_logical3A_86 : vector<16xi32>
    %lt3A_88 = arith.constant 100 : i32
    %lt3A_89 = vector.broadcast %lt3A_88 : i32 to vector<16xi32>
    %lt3A_90 = arith.cmpi slt, %add3A_72, %lt3A_89 : vector<16xi32>
    %add3A_91 = vector.broadcast %mul3A_27 : i32 to vector<16xi32>
    %add3A_92 = arith.addi %add3A_91, %shift_right_logical3A_87 : vector<16xi32>
    %broadcast_in_dim3A_93 = vector.broadcast %mul3A_27 : i32 to vector<16xi32>
    %select_n3A_94 = arith.select %lt3A_90, %add3A_92, %broadcast_in_dim3A_93 : vector<16xi1>, vector<16xi32>
    %add3A_95 = arith.constant 0 : i32
    %add3A_96 = vector.broadcast %add3A_95 : i32 to vector<16xi32>
    %add3A_97 = arith.addi %select_n3A_94, %add3A_96 : vector<16xi32>
    %swap3A_98 = arith.constant 16 : index
    %swap3A_99 = tpu.vector_load %arg8[%swap3A_98] {strides = array<i32>} : memref<768xi32, #tpu.memory_space<vmem>>, vector<16xi32>,
    %swap3A_100 = vector.shape_cast %swap3A_99 : vector<16xi32> to vector<16xi32>
    %swap3A_101 = vector.shape_cast %add3A_97 : vector<16xi32> to vector<16xi32>
    tpu.vector_store %arg8[%swap3A_98], %swap3A_101 {strides = array<i32>} : memref<768xi32, #tpu.memory_space<vmem>>, vector<16xi32>,
    %add3A_102 = arith.constant 1 : i32
    %add3A_103 = vector.broadcast %add3A_102 : i32 to vector<16xi32>
    %add3A_104 = arith.addi %select_n3A_94, %add3A_103 : vector<16xi32>
    %swap3A_105 = arith.constant 128 : index
    %swap3A_106 = tpu.vector_load %arg8[%swap3A_105] {strides = array<i32>} : memref<768xi32, #tpu.memory_space<vmem>>, vector<16xi32>,
    %swap3A_107 = vector.shape_cast %swap3A_106 : vector<16xi32> to vector<16xi32>
    %swap3A_108 = vector.shape_cast %add3A_104 : vector<16xi32> to vector<16xi32>
    tpu.vector_store %arg8[%swap3A_105], %swap3A_108 {strides = array<i32>} : memref<768xi32, #tpu.memory_space<vmem>>, vector<16xi32>,
    %add3A_109 = arith.constant 2 : i32
    %add3A_110 = vector.broadcast %add3A_109 : i32 to vector<16xi32>
    %add3A_111 = arith.addi %select_n3A_94, %add3A_110 : vector<16xi32>
    %swap3A_112 = arith.constant 240 : index
    %swap3A_113 = tpu.vector_load %arg8[%swap3A_112] {strides = array<i32>} : memref<768xi32, #tpu.memory_space<vmem>>, vector<16xi32>,
    %swap3A_114 = vector.shape_cast %swap3A_113 : vector<16xi32> to vector<16xi32>
    %swap3A_115 = vector.shape_cast %add3A_111 : vector<16xi32> to vector<16xi32>
    tpu.vector_store %arg8[%swap3A_112], %swap3A_115 {strides = array<i32>} : memref<768xi32, #tpu.memory_space<vmem>>, vector<16xi32>,
    %iota3A_116 = tpu.iota {dimensions = array<i32: 0>} : vector<16xi32>
    %add3A_117 = arith.constant 32 : i32
    %add3A_118 = vector.broadcast %add3A_117 : i32 to vector<16xi32>
    %add3A_119 = arith.addi %iota3A_116, %add3A_118 : vector<16xi32>
    %get3A_120 = arith.constant 0 : i32
    %get3A_121 = arith.index_cast %get3A_120 : i32 to index
    %get3A_122 = arith.constant 32 : index
    %get3A_123 = tpu.vector_load %arg7[%get3A_121, %get3A_122] {strides = array<i32>} : memref<2x112xi32, #tpu.memory_space<vmem>>, vector<1x16xi32>,
    %get3A_124 = vector.shape_cast %get3A_123 : vector<1x16xi32> to vector<16xi32>
    %mul3A_125 = arith.constant 160 : i32
    %mul3A_126 = vector.broadcast %mul3A_125 : i32 to vector<16xi32>
    %mul3A_127 = arith.muli %add3A_119, %mul3A_126 : vector<16xi32>
    %add3A_128 = arith.constant 256 : i32
    %add3A_129 = vector.broadcast %add3A_128 : i32 to vector<16xi32>
    %add3A_130 = arith.addi %mul3A_127, %add3A_129 : vector<16xi32>
    %sub3A_131 = arith.subi %add3A_130, %get3A_124 : vector<16xi32>
    %shift_right_logical3A_132 = arith.constant 7 : i32
    %shift_right_logical3A_133 = vector.broadcast %shift_right_logical3A_132 : i32 to vector<16xi32>
    %shift_right_logical3A_134 = arith.shrui %sub3A_131, %shift_right_logical3A_133 : vector<16xi32>
    %lt3A_135 = arith.constant 100 : i32
    %lt3A_136 = vector.broadcast %lt3A_135 : i32 to vector<16xi32>
    %lt3A_137 = arith.cmpi slt, %add3A_119, %lt3A_136 : vector<16xi32>
    %add3A_138 = vector.broadcast %mul3A_27 : i32 to vector<16xi32>
    %add3A_139 = arith.addi %add3A_138, %shift_right_logical3A_134 : vector<16xi32>
    %broadcast_in_dim3A_140 = vector.broadcast %mul3A_27 : i32 to vector<16xi32>
    %select_n3A_141 = arith.select %lt3A_137, %add3A_139, %broadcast_in_dim3A_140 : vector<16xi1>, vector<16xi32>
    %add3A_142 = arith.constant 0 : i32
    %add3A_143 = vector.broadcast %add3A_142 : i32 to vector<16xi32>
    %add3A_144 = arith.addi %select_n3A_141, %add3A_143 : vector<16xi32>
    %swap3A_145 = arith.constant 32 : index
    %swap3A_146 = tpu.vector_load %arg8[%swap3A_145] {strides = array<i32>} : memref<768xi32, #tpu.memory_space<vmem>>, vector<16xi32>,
    %swap3A_147 = vector.shape_cast %swap3A_146 : vector<16xi32> to vector<16xi32>
    %swap3A_148 = vector.shape_cast %add3A_144 : vector<16xi32> to vector<16xi32>
    tpu.vector_store %arg8[%swap3A_145], %swap3A_148 {strides = array<i32>} : memref<768xi32, #tpu.memory_space<vmem>>, vector<16xi32>,
    %add3A_149 = arith.constant 1 : i32
    %add3A_150 = vector.broadcast %add3A_149 : i32 to vector<16xi32>
    %add3A_151 = arith.addi %select_n3A_141, %add3A_150 : vector<16xi32>
    %swap3A_152 = arith.constant 144 : index
    %swap3A_153 = tpu.vector_load %arg8[%swap3A_152] {strides = array<i32>} : memref<768xi32, #tpu.memory_space<vmem>>, vector<16xi32>,
    %swap3A_154 = vector.shape_cast %swap3A_153 : vector<16xi32> to vector<16xi32>
    %swap3A_155 = vector.shape_cast %add3A_151 : vector<16xi32> to vector<16xi32>
    tpu.vector_store %arg8[%swap3A_152], %swap3A_155 {strides = array<i32>} : memref<768xi32, #tpu.memory_space<vmem>>, vector<16xi32>,
    %add3A_156 = arith.constant 2 : i32
    %add3A_157 = vector.broadcast %add3A_156 : i32 to vector<16xi32>
    %add3A_158 = arith.addi %select_n3A_141, %add3A_157 : vector<16xi32>
    %swap3A_159 = arith.constant 256 : index
    %swap3A_160 = tpu.vector_load %arg8[%swap3A_159] {strides = array<i32>} : memref<768xi32, #tpu.memory_space<vmem>>, vector<16xi32>,
    %swap3A_161 = vector.shape_cast %swap3A_160 : vector<16xi32> to vector<16xi32>
    %swap3A_162 = vector.shape_cast %add3A_158 : vector<16xi32> to vector<16xi32>
    tpu.vector_store %arg8[%swap3A_159], %swap3A_162 {strides = array<i32>} : memref<768xi32, #tpu.memory_space<vmem>>, vector<16xi32>,
    %iota3A_163 = tpu.iota {dimensions = array<i32: 0>} : vector<16xi32>
    %add3A_164 = arith.constant 48 : i32
    %add3A_165 = vector.broadcast %add3A_164 : i32 to vector<16xi32>
    %add3A_166 = arith.addi %iota3A_163, %add3A_165 : vector<16xi32>
    %get3A_167 = arith.constant 0 : i32
    %get3A_168 = arith.index_cast %get3A_167 : i32 to index
    %get3A_169 = arith.constant 48 : index
    %get3A_170 = tpu.vector_load %arg7[%get3A_168, %get3A_169] {strides = array<i32>} : memref<2x112xi32, #tpu.memory_space<vmem>>, vector<1x16xi32>,
    %get3A_171 = vector.shape_cast %get3A_170 : vector<1x16xi32> to vector<16xi32>
    %mul3A_172 = arith.constant 160 : i32
    %mul3A_173 = vector.broadcast %mul3A_172 : i32 to vector<16xi32>
    %mul3A_174 = arith.muli %add3A_166, %mul3A_173 : vector<16xi32>
    %add3A_175 = arith.constant 256 : i32
    %add3A_176 = vector.broadcast %add3A_175 : i32 to vector<16xi32>
    %add3A_177 = arith.addi %mul3A_174, %add3A_176 : vector<16xi32>
    %sub3A_178 = arith.subi %add3A_177, %get3A_171 : vector<16xi32>
    %shift_right_logical3A_179 = arith.constant 7 : i32
    %shift_right_logical3A_180 = vector.broadcast %shift_right_logical3A_179 : i32 to vector<16xi32>
    %shift_right_logical3A_181 = arith.shrui %sub3A_178, %shift_right_logical3A_180 : vector<16xi32>
    %lt3A_182 = arith.constant 100 : i32
    %lt3A_183 = vector.broadcast %lt3A_182 : i32 to vector<16xi32>
    %lt3A_184 = arith.cmpi slt, %add3A_166, %lt3A_183 : vector<16xi32>
    %add3A_185 = vector.broadcast %mul3A_27 : i32 to vector<16xi32>
    %add3A_186 = arith.addi %add3A_185, %shift_right_logical3A_181 : vector<16xi32>
    %broadcast_in_dim3A_187 = vector.broadcast %mul3A_27 : i32 to vector<16xi32>
    %select_n3A_188 = arith.select %lt3A_184, %add3A_186, %broadcast_in_dim3A_187 : vector<16xi1>, vector<16xi32>
    %add3A_189 = arith.constant 0 : i32
    %add3A_190 = vector.broadcast %add3A_189 : i32 to vector<16xi32>
    %add3A_191 = arith.addi %select_n3A_188, %add3A_190 : vector<16xi32>
    %swap3A_192 = arith.constant 48 : index
    %swap3A_193 = tpu.vector_load %arg8[%swap3A_192] {strides = array<i32>} : memref<768xi32, #tpu.memory_space<vmem>>, vector<16xi32>,
    %swap3A_194 = vector.shape_cast %swap3A_193 : vector<16xi32> to vector<16xi32>
    %swap3A_195 = vector.shape_cast %add3A_191 : vector<16xi32> to vector<16xi32>
    tpu.vector_store %arg8[%swap3A_192], %swap3A_195 {strides = array<i32>} : memref<768xi32, #tpu.memory_space<vmem>>, vector<16xi32>,
    %add3A_196 = arith.constant 1 : i32
    %add3A_197 = vector.broadcast %add3A_196 : i32 to vector<16xi32>
    %add3A_198 = arith.addi %select_n3A_188, %add3A_197 : vector<16xi32>
    %swap3A_199 = arith.constant 160 : index
    %swap3A_200 = tpu.vector_load %arg8[%swap3A_199] {strides = array<i32>} : memref<768xi32, #tpu.memory_space<vmem>>, vector<16xi32>,
    %swap3A_201 = vector.shape_cast %swap3A_200 : vector<16xi32> to vector<16xi32>
    %swap3A_202 = vector.shape_cast %add3A_198 : vector<16xi32> to vector<16xi32>
    tpu.vector_store %arg8[%swap3A_199], %swap3A_202 {strides = array<i32>} : memref<768xi32, #tpu.memory_space<vmem>>, vector<16xi32>,
    %add3A_203 = arith.constant 2 : i32
    %add3A_204 = vector.broadcast %add3A_203 : i32 to vector<16xi32>
    %add3A_205 = arith.addi %select_n3A_188, %add3A_204 : vector<16xi32>
    %swap3A_206 = arith.constant 272 : index
    %swap3A_207 = tpu.vector_load %arg8[%swap3A_206] {strides = array<i32>} : memref<768xi32, #tpu.memory_space<vmem>>, vector<16xi32>,
    %swap3A_208 = vector.shape_cast %swap3A_207 : vector<16xi32> to vector<16xi32>
    %swap3A_209 = vector.shape_cast %add3A_205 : vector<16xi32> to vector<16xi32>
    tpu.vector_store %arg8[%swap3A_206], %swap3A_209 {strides = array<i32>} : memref<768xi32, #tpu.memory_space<vmem>>, vector<16xi32>,
    %iota3A_210 = tpu.iota {dimensions = array<i32: 0>} : vector<16xi32>
    %add3A_211 = arith.constant 64 : i32
    %add3A_212 = vector.broadcast %add3A_211 : i32 to vector<16xi32>
    %add3A_213 = arith.addi %iota3A_210, %add3A_212 : vector<16xi32>
    %get3A_214 = arith.constant 0 : i32
    %get3A_215 = arith.index_cast %get3A_214 : i32 to index
    %get3A_216 = arith.constant 64 : index
    %get3A_217 = tpu.vector_load %arg7[%get3A_215, %get3A_216] {strides = array<i32>} : memref<2x112xi32, #tpu.memory_space<vmem>>, vector<1x16xi32>,
    %get3A_218 = vector.shape_cast %get3A_217 : vector<1x16xi32> to vector<16xi32>
    %mul3A_219 = arith.constant 160 : i32
    %mul3A_220 = vector.broadcast %mul3A_219 : i32 to vector<16xi32>
    %mul3A_221 = arith.muli %add3A_213, %mul3A_220 : vector<16xi32>
    %add3A_222 = arith.constant 256 : i32
    %add3A_223 = vector.broadcast %add3A_222 : i32 to vector<16xi32>
    %add3A_224 = arith.addi %mul3A_221, %add3A_223 : vector<16xi32>
    %sub3A_225 = arith.subi %add3A_224, %get3A_218 : vector<16xi32>
    %shift_right_logical3A_226 = arith.constant 7 : i32
    %shift_right_logical3A_227 = vector.broadcast %shift_right_logical3A_226 : i32 to vector<16xi32>
    %shift_right_logical3A_228 = arith.shrui %sub3A_225, %shift_right_logical3A_227 : vector<16xi32>
    %lt3A_229 = arith.constant 100 : i32
    %lt3A_230 = vector.broadcast %lt3A_229 : i32 to vector<16xi32>
    %lt3A_231 = arith.cmpi slt, %add3A_213, %lt3A_230 : vector<16xi32>
    %add3A_232 = vector.broadcast %mul3A_27 : i32 to vector<16xi32>
    %add3A_233 = arith.addi %add3A_232, %shift_right_logical3A_228 : vector<16xi32>
    %broadcast_in_dim3A_234 = vector.broadcast %mul3A_27 : i32 to vector<16xi32>
    %select_n3A_235 = arith.select %lt3A_231, %add3A_233, %broadcast_in_dim3A_234 : vector<16xi1>, vector<16xi32>
    %add3A_236 = arith.constant 0 : i32
    %add3A_237 = vector.broadcast %add3A_236 : i32 to vector<16xi32>
    %add3A_238 = arith.addi %select_n3A_235, %add3A_237 : vector<16xi32>
    %swap3A_239 = arith.constant 64 : index
    %swap3A_240 = tpu.vector_load %arg8[%swap3A_239] {strides = array<i32>} : memref<768xi32, #tpu.memory_space<vmem>>, vector<16xi32>,
    %swap3A_241 = vector.shape_cast %swap3A_240 : vector<16xi32> to vector<16xi32>
    %swap3A_242 = vector.shape_cast %add3A_238 : vector<16xi32> to vector<16xi32>
    tpu.vector_store %arg8[%swap3A_239], %swap3A_242 {strides = array<i32>} : memref<768xi32, #tpu.memory_space<vmem>>, vector<16xi32>,
    %add3A_243 = arith.constant 1 : i32
    %add3A_244 = vector.broadcast %add3A_243 : i32 to vector<16xi32>
    %add3A_245 = arith.addi %select_n3A_235, %add3A_244 : vector<16xi32>
    %swap3A_246 = arith.constant 176 : index
    %swap3A_247 = tpu.vector_load %arg8[%swap3A_246] {strides = array<i32>} : memref<768xi32, #tpu.memory_space<vmem>>, vector<16xi32>,
    %swap3A_248 = vector.shape_cast %swap3A_247 : vector<16xi32> to vector<16xi32>
    %swap3A_249 = vector.shape_cast %add3A_245 : vector<16xi32> to vector<16xi32>
    tpu.vector_store %arg8[%swap3A_246], %swap3A_249 {strides = array<i32>} : memref<768xi32, #tpu.memory_space<vmem>>, vector<16xi32>,
    %add3A_250 = arith.constant 2 : i32
    %add3A_251 = vector.broadcast %add3A_250 : i32 to vector<16xi32>
    %add3A_252 = arith.addi %select_n3A_235, %add3A_251 : vector<16xi32>
    %swap3A_253 = arith.constant 288 : index
    %swap3A_254 = tpu.vector_load %arg8[%swap3A_253] {strides = array<i32>} : memref<768xi32, #tpu.memory_space<vmem>>, vector<16xi32>,
    %swap3A_255 = vector.shape_cast %swap3A_254 : vector<16xi32> to vector<16xi32>
    %swap3A_256 = vector.shape_cast %add3A_252 : vector<16xi32> to vector<16xi32>
    tpu.vector_store %arg8[%swap3A_253], %swap3A_256 {strides = array<i32>} : memref<768xi32, #tpu.memory_space<vmem>>, vector<16xi32>,
    %iota3A_257 = tpu.iota {dimensions = array<i32: 0>} : vector<16xi32>
    %add3A_258 = arith.constant 80 : i32
    %add3A_259 = vector.broadcast %add3A_258 : i32 to vector<16xi32>
    %add3A_260 = arith.addi %iota3A_257, %add3A_259 : vector<16xi32>
    %get3A_261 = arith.constant 0 : i32
    %get3A_262 = arith.index_cast %get3A_261 : i32 to index
    %get3A_263 = arith.constant 80 : index
    %get3A_264 = tpu.vector_load %arg7[%get3A_262, %get3A_263] {strides = array<i32>} : memref<2x112xi32, #tpu.memory_space<vmem>>, vector<1x16xi32>,
    %get3A_265 = vector.shape_cast %get3A_264 : vector<1x16xi32> to vector<16xi32>
    %mul3A_266 = arith.constant 160 : i32
    %mul3A_267 = vector.broadcast %mul3A_266 : i32 to vector<16xi32>
    %mul3A_268 = arith.muli %add3A_260, %mul3A_267 : vector<16xi32>
    %add3A_269 = arith.constant 256 : i32
    %add3A_270 = vector.broadcast %add3A_269 : i32 to vector<16xi32>
    %add3A_271 = arith.addi %mul3A_268, %add3A_270 : vector<16xi32>
    %sub3A_272 = arith.subi %add3A_271, %get3A_265 : vector<16xi32>
    %shift_right_logical3A_273 = arith.constant 7 : i32
    %shift_right_logical3A_274 = vector.broadcast %shift_right_logical3A_273 : i32 to vector<16xi32>
    %shift_right_logical3A_275 = arith.shrui %sub3A_272, %shift_right_logical3A_274 : vector<16xi32>
    %lt3A_276 = arith.constant 100 : i32
    %lt3A_277 = vector.broadcast %lt3A_276 : i32 to vector<16xi32>
    %lt3A_278 = arith.cmpi slt, %add3A_260, %lt3A_277 : vector<16xi32>
    %add3A_279 = vector.broadcast %mul3A_27 : i32 to vector<16xi32>
    %add3A_280 = arith.addi %add3A_279, %shift_right_logical3A_275 : vector<16xi32>
    %broadcast_in_dim3A_281 = vector.broadcast %mul3A_27 : i32 to vector<16xi32>
    %select_n3A_282 = arith.select %lt3A_278, %add3A_280, %broadcast_in_dim3A_281 : vector<16xi1>, vector<16xi32>
    %add3A_283 = arith.constant 0 : i32
    %add3A_284 = vector.broadcast %add3A_283 : i32 to vector<16xi32>
    %add3A_285 = arith.addi %select_n3A_282, %add3A_284 : vector<16xi32>
    %swap3A_286 = arith.constant 80 : index
    %swap3A_287 = tpu.vector_load %arg8[%swap3A_286] {strides = array<i32>} : memref<768xi32, #tpu.memory_space<vmem>>, vector<16xi32>,
    %swap3A_288 = vector.shape_cast %swap3A_287 : vector<16xi32> to vector<16xi32>
    %swap3A_289 = vector.shape_cast %add3A_285 : vector<16xi32> to vector<16xi32>
    tpu.vector_store %arg8[%swap3A_286], %swap3A_289 {strides = array<i32>} : memref<768xi32, #tpu.memory_space<vmem>>, vector<16xi32>,
    %add3A_290 = arith.constant 1 : i32
    %add3A_291 = vector.broadcast %add3A_290 : i32 to vector<16xi32>
    %add3A_292 = arith.addi %select_n3A_282, %add3A_291 : vector<16xi32>
    %swap3A_293 = arith.constant 192 : index
    %swap3A_294 = tpu.vector_load %arg8[%swap3A_293] {strides = array<i32>} : memref<768xi32, #tpu.memory_space<vmem>>, vector<16xi32>,
    %swap3A_295 = vector.shape_cast %swap3A_294 : vector<16xi32> to vector<16xi32>
    %swap3A_296 = vector.shape_cast %add3A_292 : vector<16xi32> to vector<16xi32>
    tpu.vector_store %arg8[%swap3A_293], %swap3A_296 {strides = array<i32>} : memref<768xi32, #tpu.memory_space<vmem>>, vector<16xi32>,
    %add3A_297 = arith.constant 2 : i32
    %add3A_298 = vector.broadcast %add3A_297 : i32 to vector<16xi32>
    %add3A_299 = arith.addi %select_n3A_282, %add3A_298 : vector<16xi32>
    %swap3A_300 = arith.constant 304 : index
    %swap3A_301 = tpu.vector_load %arg8[%swap3A_300] {strides = array<i32>} : memref<768xi32, #tpu.memory_space<vmem>>, vector<16xi32>,
    %swap3A_302 = vector.shape_cast %swap3A_301 : vector<16xi32> to vector<16xi32>
    %swap3A_303 = vector.shape_cast %add3A_299 : vector<16xi32> to vector<16xi32>
    tpu.vector_store %arg8[%swap3A_300], %swap3A_303 {strides = array<i32>} : memref<768xi32, #tpu.memory_space<vmem>>, vector<16xi32>,
    %iota3A_304 = tpu.iota {dimensions = array<i32: 0>} : vector<16xi32>
    %add3A_305 = arith.constant 96 : i32
    %add3A_306 = vector.broadcast %add3A_305 : i32 to vector<16xi32>
    %add3A_307 = arith.addi %iota3A_304, %add3A_306 : vector<16xi32>
    %get3A_308 = arith.constant 0 : i32
    %get3A_309 = arith.index_cast %get3A_308 : i32 to index
    %get3A_310 = arith.constant 96 : index
    %get3A_311 = tpu.vector_load %arg7[%get3A_309, %get3A_310] {strides = array<i32>} : memref<2x112xi32, #tpu.memory_space<vmem>>, vector<1x16xi32>,
    %get3A_312 = vector.shape_cast %get3A_311 : vector<1x16xi32> to vector<16xi32>
    %mul3A_313 = arith.constant 160 : i32
    %mul3A_314 = vector.broadcast %mul3A_313 : i32 to vector<16xi32>
    %mul3A_315 = arith.muli %add3A_307, %mul3A_314 : vector<16xi32>
    %add3A_316 = arith.constant 256 : i32
    %add3A_317 = vector.broadcast %add3A_316 : i32 to vector<16xi32>
    %add3A_318 = arith.addi %mul3A_315, %add3A_317 : vector<16xi32>
    %sub3A_319 = arith.subi %add3A_318, %get3A_312 : vector<16xi32>
    %shift_right_logical3A_320 = arith.constant 7 : i32
    %shift_right_logical3A_321 = vector.broadcast %shift_right_logical3A_320 : i32 to vector<16xi32>
    %shift_right_logical3A_322 = arith.shrui %sub3A_319, %shift_right_logical3A_321 : vector<16xi32>
    %lt3A_323 = arith.constant 100 : i32
    %lt3A_324 = vector.broadcast %lt3A_323 : i32 to vector<16xi32>
    %lt3A_325 = arith.cmpi slt, %add3A_307, %lt3A_324 : vector<16xi32>
    %add3A_326 = vector.broadcast %mul3A_27 : i32 to vector<16xi32>
    %add3A_327 = arith.addi %add3A_326, %shift_right_logical3A_322 : vector<16xi32>
    %broadcast_in_dim3A_328 = vector.broadcast %mul3A_27 : i32 to vector<16xi32>
    %select_n3A_329 = arith.select %lt3A_325, %add3A_327, %broadcast_in_dim3A_328 : vector<16xi1>, vector<16xi32>
    %add3A_330 = arith.constant 0 : i32
    %add3A_331 = vector.broadcast %add3A_330 : i32 to vector<16xi32>
    %add3A_332 = arith.addi %select_n3A_329, %add3A_331 : vector<16xi32>
    %swap3A_333 = arith.constant 96 : index
    %swap3A_334 = tpu.vector_load %arg8[%swap3A_333] {strides = array<i32>} : memref<768xi32, #tpu.memory_space<vmem>>, vector<16xi32>,
    %swap3A_335 = vector.shape_cast %swap3A_334 : vector<16xi32> to vector<16xi32>
    %swap3A_336 = vector.shape_cast %add3A_332 : vector<16xi32> to vector<16xi32>
    tpu.vector_store %arg8[%swap3A_333], %swap3A_336 {strides = array<i32>} : memref<768xi32, #tpu.memory_space<vmem>>, vector<16xi32>,
    %add3A_337 = arith.constant 1 : i32
    %add3A_338 = vector.broadcast %add3A_337 : i32 to vector<16xi32>
    %add3A_339 = arith.addi %select_n3A_329, %add3A_338 : vector<16xi32>
    %swap3A_340 = arith.constant 208 : index
    %swap3A_341 = tpu.vector_load %arg8[%swap3A_340] {strides = array<i32>} : memref<768xi32, #tpu.memory_space<vmem>>, vector<16xi32>,
    %swap3A_342 = vector.shape_cast %swap3A_341 : vector<16xi32> to vector<16xi32>
    %swap3A_343 = vector.shape_cast %add3A_339 : vector<16xi32> to vector<16xi32>
    tpu.vector_store %arg8[%swap3A_340], %swap3A_343 {strides = array<i32>} : memref<768xi32, #tpu.memory_space<vmem>>, vector<16xi32>,
    %add3A_344 = arith.constant 2 : i32
    %add3A_345 = vector.broadcast %add3A_344 : i32 to vector<16xi32>
    %add3A_346 = arith.addi %select_n3A_329, %add3A_345 : vector<16xi32>
    %swap3A_347 = arith.constant 320 : index
    %swap3A_348 = tpu.vector_load %arg8[%swap3A_347] {strides = array<i32>} : memref<768xi32, #tpu.memory_space<vmem>>, vector<16xi32>,
    %swap3A_349 = vector.shape_cast %swap3A_348 : vector<16xi32> to vector<16xi32>
    %swap3A_350 = vector.shape_cast %add3A_346 : vector<16xi32> to vector<16xi32>
    tpu.vector_store %arg8[%swap3A_347], %swap3A_350 {strides = array<i32>} : memref<768xi32, #tpu.memory_space<vmem>>, vector<16xi32>,
    %add3A_351 = arith.constant 1 : i32
    %add3A_352 = arith.addi %mul3A_0, %add3A_351 : i32
    %mul3A_353 = arith.constant 129 : i32
    %mul3A_354 = arith.muli %add3A_352, %mul3A_353 : i32
    %iota3A_355 = tpu.iota {dimensions = array<i32: 0>} : vector<16xi32>
    %add3A_356 = arith.constant 0 : i32
    %add3A_357 = vector.broadcast %add3A_356 : i32 to vector<16xi32>
    %add3A_358 = arith.addi %iota3A_355, %add3A_357 : vector<16xi32>
    %get3A_359 = arith.constant 1 : i32
    %get3A_360 = arith.index_cast %get3A_359 : i32 to index
    %get3A_361 = arith.constant 0 : index
    %get3A_362 = tpu.vector_load %arg7[%get3A_360, %get3A_361] {strides = array<i32>} : memref<2x112xi32, #tpu.memory_space<vmem>>, vector<1x16xi32>,
    %get3A_363 = vector.shape_cast %get3A_362 : vector<1x16xi32> to vector<16xi32>
    %mul3A_364 = arith.constant 160 : i32
    %mul3A_365 = vector.broadcast %mul3A_364 : i32 to vector<16xi32>
    %mul3A_366 = arith.muli %add3A_358, %mul3A_365 : vector<16xi32>
    %add3A_367 = arith.constant 256 : i32
    %add3A_368 = vector.broadcast %add3A_367 : i32 to vector<16xi32>
    %add3A_369 = arith.addi %mul3A_366, %add3A_368 : vector<16xi32>
    %sub3A_370 = arith.subi %add3A_369, %get3A_363 : vector<16xi32>
    %shift_right_logical3A_371 = arith.constant 7 : i32
    %shift_right_logical3A_372 = vector.broadcast %shift_right_logical3A_371 : i32 to vector<16xi32>
    %shift_right_logical3A_373 = arith.shrui %sub3A_370, %shift_right_logical3A_372 : vector<16xi32>
    %lt3A_374 = arith.constant 100 : i32
    %lt3A_375 = vector.broadcast %lt3A_374 : i32 to vector<16xi32>
    %lt3A_376 = arith.cmpi slt, %add3A_358, %lt3A_375 : vector<16xi32>
    %add3A_377 = vector.broadcast %mul3A_354 : i32 to vector<16xi32>
    %add3A_378 = arith.addi %add3A_377, %shift_right_logical3A_373 : vector<16xi32>
    %broadcast_in_dim3A_379 = vector.broadcast %mul3A_354 : i32 to vector<16xi32>
    %select_n3A_380 = arith.select %lt3A_376, %add3A_378, %broadcast_in_dim3A_379 : vector<16xi1>, vector<16xi32>
    %add3A_381 = arith.constant 0 : i32
    %add3A_382 = vector.broadcast %add3A_381 : i32 to vector<16xi32>
    %add3A_383 = arith.addi %select_n3A_380, %add3A_382 : vector<16xi32>
    %swap3A_384 = arith.constant 336 : index
    %swap3A_385 = tpu.vector_load %arg8[%swap3A_384] {strides = array<i32>} : memref<768xi32, #tpu.memory_space<vmem>>, vector<16xi32>,
    %swap3A_386 = vector.shape_cast %swap3A_385 : vector<16xi32> to vector<16xi32>
    %swap3A_387 = vector.shape_cast %add3A_383 : vector<16xi32> to vector<16xi32>
    tpu.vector_store %arg8[%swap3A_384], %swap3A_387 {strides = array<i32>} : memref<768xi32, #tpu.memory_space<vmem>>, vector<16xi32>,
    %add3A_388 = arith.constant 1 : i32
    %add3A_389 = vector.broadcast %add3A_388 : i32 to vector<16xi32>
    %add3A_390 = arith.addi %select_n3A_380, %add3A_389 : vector<16xi32>
    %swap3A_391 = arith.constant 448 : index
    %swap3A_392 = tpu.vector_load %arg8[%swap3A_391] {strides = array<i32>} : memref<768xi32, #tpu.memory_space<vmem>>, vector<16xi32>,
    %swap3A_393 = vector.shape_cast %swap3A_392 : vector<16xi32> to vector<16xi32>
    %swap3A_394 = vector.shape_cast %add3A_390 : vector<16xi32> to vector<16xi32>
    tpu.vector_store %arg8[%swap3A_391], %swap3A_394 {strides = array<i32>} : memref<768xi32, #tpu.memory_space<vmem>>, vector<16xi32>,
    %add3A_395 = arith.constant 2 : i32
    %add3A_396 = vector.broadcast %add3A_395 : i32 to vector<16xi32>
    %add3A_397 = arith.addi %select_n3A_380, %add3A_396 : vector<16xi32>
    %swap3A_398 = arith.constant 560 : index
    %swap3A_399 = tpu.vector_load %arg8[%swap3A_398] {strides = array<i32>} : memref<768xi32, #tpu.memory_space<vmem>>, vector<16xi32>,
    %swap3A_400 = vector.shape_cast %swap3A_399 : vector<16xi32> to vector<16xi32>
    %swap3A_401 = vector.shape_cast %add3A_397 : vector<16xi32> to vector<16xi32>
    tpu.vector_store %arg8[%swap3A_398], %swap3A_401 {strides = array<i32>} : memref<768xi32, #tpu.memory_space<vmem>>, vector<16xi32>,
    %iota3A_402 = tpu.iota {dimensions = array<i32: 0>} : vector<16xi32>
    %add3A_403 = arith.constant 16 : i32
    %add3A_404 = vector.broadcast %add3A_403 : i32 to vector<16xi32>
    %add3A_405 = arith.addi %iota3A_402, %add3A_404 : vector<16xi32>
    %get3A_406 = arith.constant 1 : i32
    %get3A_407 = arith.index_cast %get3A_406 : i32 to index
    %get3A_408 = arith.constant 16 : index
    %get3A_409 = tpu.vector_load %arg7[%get3A_407, %get3A_408] {strides = array<i32>} : memref<2x112xi32, #tpu.memory_space<vmem>>, vector<1x16xi32>,
    %get3A_410 = vector.shape_cast %get3A_409 : vector<1x16xi32> to vector<16xi32>
    %mul3A_411 = arith.constant 160 : i32
    %mul3A_412 = vector.broadcast %mul3A_411 : i32 to vector<16xi32>
    %mul3A_413 = arith.muli %add3A_405, %mul3A_412 : vector<16xi32>
    %add3A_414 = arith.constant 256 : i32
    %add3A_415 = vector.broadcast %add3A_414 : i32 to vector<16xi32>
    %add3A_416 = arith.addi %mul3A_413, %add3A_415 : vector<16xi32>
    %sub3A_417 = arith.subi %add3A_416, %get3A_410 : vector<16xi32>
    %shift_right_logical3A_418 = arith.constant 7 : i32
    %shift_right_logical3A_419 = vector.broadcast %shift_right_logical3A_418 : i32 to vector<16xi32>
    %shift_right_logical3A_420 = arith.shrui %sub3A_417, %shift_right_logical3A_419 : vector<16xi32>
    %lt3A_421 = arith.constant 100 : i32
    %lt3A_422 = vector.broadcast %lt3A_421 : i32 to vector<16xi32>
    %lt3A_423 = arith.cmpi slt, %add3A_405, %lt3A_422 : vector<16xi32>
    %add3A_424 = vector.broadcast %mul3A_354 : i32 to vector<16xi32>
    %add3A_425 = arith.addi %add3A_424, %shift_right_logical3A_420 : vector<16xi32>
    %broadcast_in_dim3A_426 = vector.broadcast %mul3A_354 : i32 to vector<16xi32>
    %select_n3A_427 = arith.select %lt3A_423, %add3A_425, %broadcast_in_dim3A_426 : vector<16xi1>, vector<16xi32>
    %add3A_428 = arith.constant 0 : i32
    %add3A_429 = vector.broadcast %add3A_428 : i32 to vector<16xi32>
    %add3A_430 = arith.addi %select_n3A_427, %add3A_429 : vector<16xi32>
    %swap3A_431 = arith.constant 352 : index
    %swap3A_432 = tpu.vector_load %arg8[%swap3A_431] {strides = array<i32>} : memref<768xi32, #tpu.memory_space<vmem>>, vector<16xi32>,
    %swap3A_433 = vector.shape_cast %swap3A_432 : vector<16xi32> to vector<16xi32>
    %swap3A_434 = vector.shape_cast %add3A_430 : vector<16xi32> to vector<16xi32>
    tpu.vector_store %arg8[%swap3A_431], %swap3A_434 {strides = array<i32>} : memref<768xi32, #tpu.memory_space<vmem>>, vector<16xi32>,
    %add3A_435 = arith.constant 1 : i32
    %add3A_436 = vector.broadcast %add3A_435 : i32 to vector<16xi32>
    %add3A_437 = arith.addi %select_n3A_427, %add3A_436 : vector<16xi32>
    %swap3A_438 = arith.constant 464 : index
    %swap3A_439 = tpu.vector_load %arg8[%swap3A_438] {strides = array<i32>} : memref<768xi32, #tpu.memory_space<vmem>>, vector<16xi32>,
    %swap3A_440 = vector.shape_cast %swap3A_439 : vector<16xi32> to vector<16xi32>
    %swap3A_441 = vector.shape_cast %add3A_437 : vector<16xi32> to vector<16xi32>
    tpu.vector_store %arg8[%swap3A_438], %swap3A_441 {strides = array<i32>} : memref<768xi32, #tpu.memory_space<vmem>>, vector<16xi32>,
    %add3A_442 = arith.constant 2 : i32
    %add3A_443 = vector.broadcast %add3A_442 : i32 to vector<16xi32>
    %add3A_444 = arith.addi %select_n3A_427, %add3A_443 : vector<16xi32>
    %swap3A_445 = arith.constant 576 : index
    %swap3A_446 = tpu.vector_load %arg8[%swap3A_445] {strides = array<i32>} : memref<768xi32, #tpu.memory_space<vmem>>, vector<16xi32>,
    %swap3A_447 = vector.shape_cast %swap3A_446 : vector<16xi32> to vector<16xi32>
    %swap3A_448 = vector.shape_cast %add3A_444 : vector<16xi32> to vector<16xi32>
    tpu.vector_store %arg8[%swap3A_445], %swap3A_448 {strides = array<i32>} : memref<768xi32, #tpu.memory_space<vmem>>, vector<16xi32>,
    %iota3A_449 = tpu.iota {dimensions = array<i32: 0>} : vector<16xi32>
    %add3A_450 = arith.constant 32 : i32
    %add3A_451 = vector.broadcast %add3A_450 : i32 to vector<16xi32>
    %add3A_452 = arith.addi %iota3A_449, %add3A_451 : vector<16xi32>
    %get3A_453 = arith.constant 1 : i32
    %get3A_454 = arith.index_cast %get3A_453 : i32 to index
    %get3A_455 = arith.constant 32 : index
    %get3A_456 = tpu.vector_load %arg7[%get3A_454, %get3A_455] {strides = array<i32>} : memref<2x112xi32, #tpu.memory_space<vmem>>, vector<1x16xi32>,
    %get3A_457 = vector.shape_cast %get3A_456 : vector<1x16xi32> to vector<16xi32>
    %mul3A_458 = arith.constant 160 : i32
    %mul3A_459 = vector.broadcast %mul3A_458 : i32 to vector<16xi32>
    %mul3A_460 = arith.muli %add3A_452, %mul3A_459 : vector<16xi32>
    %add3A_461 = arith.constant 256 : i32
    %add3A_462 = vector.broadcast %add3A_461 : i32 to vector<16xi32>
    %add3A_463 = arith.addi %mul3A_460, %add3A_462 : vector<16xi32>
    %sub3A_464 = arith.subi %add3A_463, %get3A_457 : vector<16xi32>
    %shift_right_logical3A_465 = arith.constant 7 : i32
    %shift_right_logical3A_466 = vector.broadcast %shift_right_logical3A_465 : i32 to vector<16xi32>
    %shift_right_logical3A_467 = arith.shrui %sub3A_464, %shift_right_logical3A_466 : vector<16xi32>
    %lt3A_468 = arith.constant 100 : i32
    %lt3A_469 = vector.broadcast %lt3A_468 : i32 to vector<16xi32>
    %lt3A_470 = arith.cmpi slt, %add3A_452, %lt3A_469 : vector<16xi32>
    %add3A_471 = vector.broadcast %mul3A_354 : i32 to vector<16xi32>
    %add3A_472 = arith.addi %add3A_471, %shift_right_logical3A_467 : vector<16xi32>
    %broadcast_in_dim3A_473 = vector.broadcast %mul3A_354 : i32 to vector<16xi32>
    %select_n3A_474 = arith.select %lt3A_470, %add3A_472, %broadcast_in_dim3A_473 : vector<16xi1>, vector<16xi32>
    %add3A_475 = arith.constant 0 : i32
    %add3A_476 = vector.broadcast %add3A_475 : i32 to vector<16xi32>
    %add3A_477 = arith.addi %select_n3A_474, %add3A_476 : vector<16xi32>
    %swap3A_478 = arith.constant 368 : index
    %swap3A_479 = tpu.vector_load %arg8[%swap3A_478] {strides = array<i32>} : memref<768xi32, #tpu.memory_space<vmem>>, vector<16xi32>,
    %swap3A_480 = vector.shape_cast %swap3A_479 : vector<16xi32> to vector<16xi32>
    %swap3A_481 = vector.shape_cast %add3A_477 : vector<16xi32> to vector<16xi32>
    tpu.vector_store %arg8[%swap3A_478], %swap3A_481 {strides = array<i32>} : memref<768xi32, #tpu.memory_space<vmem>>, vector<16xi32>,
    %add3A_482 = arith.constant 1 : i32
    %add3A_483 = vector.broadcast %add3A_482 : i32 to vector<16xi32>
    %add3A_484 = arith.addi %select_n3A_474, %add3A_483 : vector<16xi32>
    %swap3A_485 = arith.constant 480 : index
    %swap3A_486 = tpu.vector_load %arg8[%swap3A_485] {strides = array<i32>} : memref<768xi32, #tpu.memory_space<vmem>>, vector<16xi32>,
    %swap3A_487 = vector.shape_cast %swap3A_486 : vector<16xi32> to vector<16xi32>
    %swap3A_488 = vector.shape_cast %add3A_484 : vector<16xi32> to vector<16xi32>
    tpu.vector_store %arg8[%swap3A_485], %swap3A_488 {strides = array<i32>} : memref<768xi32, #tpu.memory_space<vmem>>, vector<16xi32>,
    %add3A_489 = arith.constant 2 : i32
    %add3A_490 = vector.broadcast %add3A_489 : i32 to vector<16xi32>
    %add3A_491 = arith.addi %select_n3A_474, %add3A_490 : vector<16xi32>
    %swap3A_492 = arith.constant 592 : index
    %swap3A_493 = tpu.vector_load %arg8[%swap3A_492] {strides = array<i32>} : memref<768xi32, #tpu.memory_space<vmem>>, vector<16xi32>,
    %swap3A_494 = vector.shape_cast %swap3A_493 : vector<16xi32> to vector<16xi32>
    %swap3A_495 = vector.shape_cast %add3A_491 : vector<16xi32> to vector<16xi32>
    tpu.vector_store %arg8[%swap3A_492], %swap3A_495 {strides = array<i32>} : memref<768xi32, #tpu.memory_space<vmem>>, vector<16xi32>,
    %iota3A_496 = tpu.iota {dimensions = array<i32: 0>} : vector<16xi32>
    %add3A_497 = arith.constant 48 : i32
    %add3A_498 = vector.broadcast %add3A_497 : i32 to vector<16xi32>
    %add3A_499 = arith.addi %iota3A_496, %add3A_498 : vector<16xi32>
    %get3A_500 = arith.constant 1 : i32
    %get3A_501 = arith.index_cast %get3A_500 : i32 to index
    %get3A_502 = arith.constant 48 : index
    %get3A_503 = tpu.vector_load %arg7[%get3A_501, %get3A_502] {strides = array<i32>} : memref<2x112xi32, #tpu.memory_space<vmem>>, vector<1x16xi32>,
    %get3A_504 = vector.shape_cast %get3A_503 : vector<1x16xi32> to vector<16xi32>
    %mul3A_505 = arith.constant 160 : i32
    %mul3A_506 = vector.broadcast %mul3A_505 : i32 to vector<16xi32>
    %mul3A_507 = arith.muli %add3A_499, %mul3A_506 : vector<16xi32>
    %add3A_508 = arith.constant 256 : i32
    %add3A_509 = vector.broadcast %add3A_508 : i32 to vector<16xi32>
    %add3A_510 = arith.addi %mul3A_507, %add3A_509 : vector<16xi32>
    %sub3A_511 = arith.subi %add3A_510, %get3A_504 : vector<16xi32>
    %shift_right_logical3A_512 = arith.constant 7 : i32
    %shift_right_logical3A_513 = vector.broadcast %shift_right_logical3A_512 : i32 to vector<16xi32>
    %shift_right_logical3A_514 = arith.shrui %sub3A_511, %shift_right_logical3A_513 : vector<16xi32>
    %lt3A_515 = arith.constant 100 : i32
    %lt3A_516 = vector.broadcast %lt3A_515 : i32 to vector<16xi32>
    %lt3A_517 = arith.cmpi slt, %add3A_499, %lt3A_516 : vector<16xi32>
    %add3A_518 = vector.broadcast %mul3A_354 : i32 to vector<16xi32>
    %add3A_519 = arith.addi %add3A_518, %shift_right_logical3A_514 : vector<16xi32>
    %broadcast_in_dim3A_520 = vector.broadcast %mul3A_354 : i32 to vector<16xi32>
    %select_n3A_521 = arith.select %lt3A_517, %add3A_519, %broadcast_in_dim3A_520 : vector<16xi1>, vector<16xi32>
    %add3A_522 = arith.constant 0 : i32
    %add3A_523 = vector.broadcast %add3A_522 : i32 to vector<16xi32>
    %add3A_524 = arith.addi %select_n3A_521, %add3A_523 : vector<16xi32>
    %swap3A_525 = arith.constant 384 : index
    %swap3A_526 = tpu.vector_load %arg8[%swap3A_525] {strides = array<i32>} : memref<768xi32, #tpu.memory_space<vmem>>, vector<16xi32>,
    %swap3A_527 = vector.shape_cast %swap3A_526 : vector<16xi32> to vector<16xi32>
    %swap3A_528 = vector.shape_cast %add3A_524 : vector<16xi32> to vector<16xi32>
    tpu.vector_store %arg8[%swap3A_525], %swap3A_528 {strides = array<i32>} : memref<768xi32, #tpu.memory_space<vmem>>, vector<16xi32>,
    %add3A_529 = arith.constant 1 : i32
    %add3A_530 = vector.broadcast %add3A_529 : i32 to vector<16xi32>
    %add3A_531 = arith.addi %select_n3A_521, %add3A_530 : vector<16xi32>
    %swap3A_532 = arith.constant 496 : index
    %swap3A_533 = tpu.vector_load %arg8[%swap3A_532] {strides = array<i32>} : memref<768xi32, #tpu.memory_space<vmem>>, vector<16xi32>,
    %swap3A_534 = vector.shape_cast %swap3A_533 : vector<16xi32> to vector<16xi32>
    %swap3A_535 = vector.shape_cast %add3A_531 : vector<16xi32> to vector<16xi32>
    tpu.vector_store %arg8[%swap3A_532], %swap3A_535 {strides = array<i32>} : memref<768xi32, #tpu.memory_space<vmem>>, vector<16xi32>,
    %add3A_536 = arith.constant 2 : i32
    %add3A_537 = vector.broadcast %add3A_536 : i32 to vector<16xi32>
    %add3A_538 = arith.addi %select_n3A_521, %add3A_537 : vector<16xi32>
    %swap3A_539 = arith.constant 608 : index
    %swap3A_540 = tpu.vector_load %arg8[%swap3A_539] {strides = array<i32>} : memref<768xi32, #tpu.memory_space<vmem>>, vector<16xi32>,
    %swap3A_541 = vector.shape_cast %swap3A_540 : vector<16xi32> to vector<16xi32>
    %swap3A_542 = vector.shape_cast %add3A_538 : vector<16xi32> to vector<16xi32>
    tpu.vector_store %arg8[%swap3A_539], %swap3A_542 {strides = array<i32>} : memref<768xi32, #tpu.memory_space<vmem>>, vector<16xi32>,
    %iota3A_543 = tpu.iota {dimensions = array<i32: 0>} : vector<16xi32>
    %add3A_544 = arith.constant 64 : i32
    %add3A_545 = vector.broadcast %add3A_544 : i32 to vector<16xi32>
    %add3A_546 = arith.addi %iota3A_543, %add3A_545 : vector<16xi32>
    %get3A_547 = arith.constant 1 : i32
    %get3A_548 = arith.index_cast %get3A_547 : i32 to index
    %get3A_549 = arith.constant 64 : index
    %get3A_550 = tpu.vector_load %arg7[%get3A_548, %get3A_549] {strides = array<i32>} : memref<2x112xi32, #tpu.memory_space<vmem>>, vector<1x16xi32>,
    %get3A_551 = vector.shape_cast %get3A_550 : vector<1x16xi32> to vector<16xi32>
    %mul3A_552 = arith.constant 160 : i32
    %mul3A_553 = vector.broadcast %mul3A_552 : i32 to vector<16xi32>
    %mul3A_554 = arith.muli %add3A_546, %mul3A_553 : vector<16xi32>
    %add3A_555 = arith.constant 256 : i32
    %add3A_556 = vector.broadcast %add3A_555 : i32 to vector<16xi32>
    %add3A_557 = arith.addi %mul3A_554, %add3A_556 : vector<16xi32>
    %sub3A_558 = arith.subi %add3A_557, %get3A_551 : vector<16xi32>
    %shift_right_logical3A_559 = arith.constant 7 : i32
    %shift_right_logical3A_560 = vector.broadcast %shift_right_logical3A_559 : i32 to vector<16xi32>
    %shift_right_logical3A_561 = arith.shrui %sub3A_558, %shift_right_logical3A_560 : vector<16xi32>
    %lt3A_562 = arith.constant 100 : i32
    %lt3A_563 = vector.broadcast %lt3A_562 : i32 to vector<16xi32>
    %lt3A_564 = arith.cmpi slt, %add3A_546, %lt3A_563 : vector<16xi32>
    %add3A_565 = vector.broadcast %mul3A_354 : i32 to vector<16xi32>
    %add3A_566 = arith.addi %add3A_565, %shift_right_logical3A_561 : vector<16xi32>
    %broadcast_in_dim3A_567 = vector.broadcast %mul3A_354 : i32 to vector<16xi32>
    %select_n3A_568 = arith.select %lt3A_564, %add3A_566, %broadcast_in_dim3A_567 : vector<16xi1>, vector<16xi32>
    %add3A_569 = arith.constant 0 : i32
    %add3A_570 = vector.broadcast %add3A_569 : i32 to vector<16xi32>
    %add3A_571 = arith.addi %select_n3A_568, %add3A_570 : vector<16xi32>
    %swap3A_572 = arith.constant 400 : index
    %swap3A_573 = tpu.vector_load %arg8[%swap3A_572] {strides = array<i32>} : memref<768xi32, #tpu.memory_space<vmem>>, vector<16xi32>,
    %swap3A_574 = vector.shape_cast %swap3A_573 : vector<16xi32> to vector<16xi32>
    %swap3A_575 = vector.shape_cast %add3A_571 : vector<16xi32> to vector<16xi32>
    tpu.vector_store %arg8[%swap3A_572], %swap3A_575 {strides = array<i32>} : memref<768xi32, #tpu.memory_space<vmem>>, vector<16xi32>,
    %add3A_576 = arith.constant 1 : i32
    %add3A_577 = vector.broadcast %add3A_576 : i32 to vector<16xi32>
    %add3A_578 = arith.addi %select_n3A_568, %add3A_577 : vector<16xi32>
    %swap3A_579 = arith.constant 512 : index
    %swap3A_580 = tpu.vector_load %arg8[%swap3A_579] {strides = array<i32>} : memref<768xi32, #tpu.memory_space<vmem>>, vector<16xi32>,
    %swap3A_581 = vector.shape_cast %swap3A_580 : vector<16xi32> to vector<16xi32>
    %swap3A_582 = vector.shape_cast %add3A_578 : vector<16xi32> to vector<16xi32>
    tpu.vector_store %arg8[%swap3A_579], %swap3A_582 {strides = array<i32>} : memref<768xi32, #tpu.memory_space<vmem>>, vector<16xi32>,
    %add3A_583 = arith.constant 2 : i32
    %add3A_584 = vector.broadcast %add3A_583 : i32 to vector<16xi32>
    %add3A_585 = arith.addi %select_n3A_568, %add3A_584 : vector<16xi32>
    %swap3A_586 = arith.constant 624 : index
    %swap3A_587 = tpu.vector_load %arg8[%swap3A_586] {strides = array<i32>} : memref<768xi32, #tpu.memory_space<vmem>>, vector<16xi32>,
    %swap3A_588 = vector.shape_cast %swap3A_587 : vector<16xi32> to vector<16xi32>
    %swap3A_589 = vector.shape_cast %add3A_585 : vector<16xi32> to vector<16xi32>
    tpu.vector_store %arg8[%swap3A_586], %swap3A_589 {strides = array<i32>} : memref<768xi32, #tpu.memory_space<vmem>>, vector<16xi32>,
    %iota3A_590 = tpu.iota {dimensions = array<i32: 0>} : vector<16xi32>
    %add3A_591 = arith.constant 80 : i32
    %add3A_592 = vector.broadcast %add3A_591 : i32 to vector<16xi32>
    %add3A_593 = arith.addi %iota3A_590, %add3A_592 : vector<16xi32>
    %get3A_594 = arith.constant 1 : i32
    %get3A_595 = arith.index_cast %get3A_594 : i32 to index
    %get3A_596 = arith.constant 80 : index
    %get3A_597 = tpu.vector_load %arg7[%get3A_595, %get3A_596] {strides = array<i32>} : memref<2x112xi32, #tpu.memory_space<vmem>>, vector<1x16xi32>,
    %get3A_598 = vector.shape_cast %get3A_597 : vector<1x16xi32> to vector<16xi32>
    %mul3A_599 = arith.constant 160 : i32
    %mul3A_600 = vector.broadcast %mul3A_599 : i32 to vector<16xi32>
    %mul3A_601 = arith.muli %add3A_593, %mul3A_600 : vector<16xi32>
    %add3A_602 = arith.constant 256 : i32
    %add3A_603 = vector.broadcast %add3A_602 : i32 to vector<16xi32>
    %add3A_604 = arith.addi %mul3A_601, %add3A_603 : vector<16xi32>
    %sub3A_605 = arith.subi %add3A_604, %get3A_598 : vector<16xi32>
    %shift_right_logical3A_606 = arith.constant 7 : i32
    %shift_right_logical3A_607 = vector.broadcast %shift_right_logical3A_606 : i32 to vector<16xi32>
    %shift_right_logical3A_608 = arith.shrui %sub3A_605, %shift_right_logical3A_607 : vector<16xi32>
    %lt3A_609 = arith.constant 100 : i32
    %lt3A_610 = vector.broadcast %lt3A_609 : i32 to vector<16xi32>
    %lt3A_611 = arith.cmpi slt, %add3A_593, %lt3A_610 : vector<16xi32>
    %add3A_612 = vector.broadcast %mul3A_354 : i32 to vector<16xi32>
    %add3A_613 = arith.addi %add3A_612, %shift_right_logical3A_608 : vector<16xi32>
    %broadcast_in_dim3A_614 = vector.broadcast %mul3A_354 : i32 to vector<16xi32>
    %select_n3A_615 = arith.select %lt3A_611, %add3A_613, %broadcast_in_dim3A_614 : vector<16xi1>, vector<16xi32>
    %add3A_616 = arith.constant 0 : i32
    %add3A_617 = vector.broadcast %add3A_616 : i32 to vector<16xi32>
    %add3A_618 = arith.addi %select_n3A_615, %add3A_617 : vector<16xi32>
    %swap3A_619 = arith.constant 416 : index
    %swap3A_620 = tpu.vector_load %arg8[%swap3A_619] {strides = array<i32>} : memref<768xi32, #tpu.memory_space<vmem>>, vector<16xi32>,
    %swap3A_621 = vector.shape_cast %swap3A_620 : vector<16xi32> to vector<16xi32>
    %swap3A_622 = vector.shape_cast %add3A_618 : vector<16xi32> to vector<16xi32>
    tpu.vector_store %arg8[%swap3A_619], %swap3A_622 {strides = array<i32>} : memref<768xi32, #tpu.memory_space<vmem>>, vector<16xi32>,
    %add3A_623 = arith.constant 1 : i32
    %add3A_624 = vector.broadcast %add3A_623 : i32 to vector<16xi32>
    %add3A_625 = arith.addi %select_n3A_615, %add3A_624 : vector<16xi32>
    %swap3A_626 = arith.constant 528 : index
    %swap3A_627 = tpu.vector_load %arg8[%swap3A_626] {strides = array<i32>} : memref<768xi32, #tpu.memory_space<vmem>>, vector<16xi32>,
    %swap3A_628 = vector.shape_cast %swap3A_627 : vector<16xi32> to vector<16xi32>
    %swap3A_629 = vector.shape_cast %add3A_625 : vector<16xi32> to vector<16xi32>
    tpu.vector_store %arg8[%swap3A_626], %swap3A_629 {strides = array<i32>} : memref<768xi32, #tpu.memory_space<vmem>>, vector<16xi32>,
    %add3A_630 = arith.constant 2 : i32
    %add3A_631 = vector.broadcast %add3A_630 : i32 to vector<16xi32>
    %add3A_632 = arith.addi %select_n3A_615, %add3A_631 : vector<16xi32>
    %swap3A_633 = arith.constant 640 : index
    %swap3A_634 = tpu.vector_load %arg8[%swap3A_633] {strides = array<i32>} : memref<768xi32, #tpu.memory_space<vmem>>, vector<16xi32>,
    %swap3A_635 = vector.shape_cast %swap3A_634 : vector<16xi32> to vector<16xi32>
    %swap3A_636 = vector.shape_cast %add3A_632 : vector<16xi32> to vector<16xi32>
    tpu.vector_store %arg8[%swap3A_633], %swap3A_636 {strides = array<i32>} : memref<768xi32, #tpu.memory_space<vmem>>, vector<16xi32>,
    %iota3A_637 = tpu.iota {dimensions = array<i32: 0>} : vector<16xi32>
    %add3A_638 = arith.constant 96 : i32
    %add3A_639 = vector.broadcast %add3A_638 : i32 to vector<16xi32>
    %add3A_640 = arith.addi %iota3A_637, %add3A_639 : vector<16xi32>
    %get3A_641 = arith.constant 1 : i32
    %get3A_642 = arith.index_cast %get3A_641 : i32 to index
    %get3A_643 = arith.constant 96 : index
    %get3A_644 = tpu.vector_load %arg7[%get3A_642, %get3A_643] {strides = array<i32>} : memref<2x112xi32, #tpu.memory_space<vmem>>, vector<1x16xi32>,
    %get3A_645 = vector.shape_cast %get3A_644 : vector<1x16xi32> to vector<16xi32>
    %mul3A_646 = arith.constant 160 : i32
    %mul3A_647 = vector.broadcast %mul3A_646 : i32 to vector<16xi32>
    %mul3A_648 = arith.muli %add3A_640, %mul3A_647 : vector<16xi32>
    %add3A_649 = arith.constant 256 : i32
    %add3A_650 = vector.broadcast %add3A_649 : i32 to vector<16xi32>
    %add3A_651 = arith.addi %mul3A_648, %add3A_650 : vector<16xi32>
    %sub3A_652 = arith.subi %add3A_651, %get3A_645 : vector<16xi32>
    %shift_right_logical3A_653 = arith.constant 7 : i32
    %shift_right_logical3A_654 = vector.broadcast %shift_right_logical3A_653 : i32 to vector<16xi32>
    %shift_right_logical3A_655 = arith.shrui %sub3A_652, %shift_right_logical3A_654 : vector<16xi32>
    %lt3A_656 = arith.constant 100 : i32
    %lt3A_657 = vector.broadcast %lt3A_656 : i32 to vector<16xi32>
    %lt3A_658 = arith.cmpi slt, %add3A_640, %lt3A_657 : vector<16xi32>
    %add3A_659 = vector.broadcast %mul3A_354 : i32 to vector<16xi32>
    %add3A_660 = arith.addi %add3A_659, %shift_right_logical3A_655 : vector<16xi32>
    %broadcast_in_dim3A_661 = vector.broadcast %mul3A_354 : i32 to vector<16xi32>
    %select_n3A_662 = arith.select %lt3A_658, %add3A_660, %broadcast_in_dim3A_661 : vector<16xi1>, vector<16xi32>
    %add3A_663 = arith.constant 0 : i32
    %add3A_664 = vector.broadcast %add3A_663 : i32 to vector<16xi32>
    %add3A_665 = arith.addi %select_n3A_662, %add3A_664 : vector<16xi32>
    %swap3A_666 = arith.constant 432 : index
    %swap3A_667 = tpu.vector_load %arg8[%swap3A_666] {strides = array<i32>} : memref<768xi32, #tpu.memory_space<vmem>>, vector<16xi32>,
    %swap3A_668 = vector.shape_cast %swap3A_667 : vector<16xi32> to vector<16xi32>
    %swap3A_669 = vector.shape_cast %add3A_665 : vector<16xi32> to vector<16xi32>
    tpu.vector_store %arg8[%swap3A_666], %swap3A_669 {strides = array<i32>} : memref<768xi32, #tpu.memory_space<vmem>>, vector<16xi32>,
    %add3A_670 = arith.constant 1 : i32
    %add3A_671 = vector.broadcast %add3A_670 : i32 to vector<16xi32>
    %add3A_672 = arith.addi %select_n3A_662, %add3A_671 : vector<16xi32>
    %swap3A_673 = arith.constant 544 : index
    %swap3A_674 = tpu.vector_load %arg8[%swap3A_673] {strides = array<i32>} : memref<768xi32, #tpu.memory_space<vmem>>, vector<16xi32>,
    %swap3A_675 = vector.shape_cast %swap3A_674 : vector<16xi32> to vector<16xi32>
    %swap3A_676 = vector.shape_cast %add3A_672 : vector<16xi32> to vector<16xi32>
    tpu.vector_store %arg8[%swap3A_673], %swap3A_676 {strides = array<i32>} : memref<768xi32, #tpu.memory_space<vmem>>, vector<16xi32>,
    %add3A_677 = arith.constant 2 : i32
    %add3A_678 = vector.broadcast %add3A_677 : i32 to vector<16xi32>
    %add3A_679 = arith.addi %select_n3A_662, %add3A_678 : vector<16xi32>
    %swap3A_680 = arith.constant 656 : index
    %swap3A_681 = tpu.vector_load %arg8[%swap3A_680] {strides = array<i32>} : memref<768xi32, #tpu.memory_space<vmem>>, vector<16xi32>,
    %swap3A_682 = vector.shape_cast %swap3A_681 : vector<16xi32> to vector<16xi32>
    %swap3A_683 = vector.shape_cast %add3A_679 : vector<16xi32> to vector<16xi32>
    tpu.vector_store %arg8[%swap3A_680], %swap3A_683 {strides = array<i32>} : memref<768xi32, #tpu.memory_space<vmem>>, vector<16xi32>,
    %dma_start3A = arith.constant 0 : i32
    %dma_start3A_684 = arith.constant 0 : i32
    %dma_start3A_685 = tpu.memref_slice %arg2[%dma_start3A, %dma_start3A_684] : memref<4128x128xf32, #tpu.memory_space<hbm>> -> memref<4128x128xf32, #tpu.memory_space<hbm>>
    tpu.enqueue_indirect_dma source(%dma_start3A_685 : memref<4128x128xf32, #tpu.memory_space<hbm>>) target(%arg9 : memref<768x128xf32, #tpu.memory_space<vmem>>) offsets(%arg8 : memref<768xi32, #tpu.memory_space<vmem>>) semaphore(%arg10 : memref<!tpu.dma_semaphore, #tpu.memory_space<semaphore_mem>>)
    %dma_wait3A = arith.constant 0 : i32
    %dma_wait3A_686 = arith.constant 0 : i32
    %dma_wait3A_687 = tpu.memref_slice %arg2[%dma_wait3A, %dma_wait3A_686] : memref<4128x128xf32, #tpu.memory_space<hbm>> -> memref<4128x128xf32, #tpu.memory_space<hbm>>
    tpu.wait_indirect_dma semaphore(%arg10 : memref<!tpu.dma_semaphore, #tpu.memory_space<semaphore_mem>>) src(%dma_wait3A_687 : memref<4128x128xf32, #tpu.memory_space<hbm>>) dst(%arg9 : memref<768x128xf32, #tpu.memory_space<vmem>>)
    %add3A_688 = arith.constant 0 : i32
    %add3A_689 = arith.addi %mul3A_0, %add3A_688 : i32
    %mul3A_690 = arith.constant 112 : i32
    %mul3A_691 = arith.muli %add3A_689, %mul3A_690 : i32
    "tpu.region"() ({
      %run_scoped3A = tpu.sem_alloc : memref<!tpu.dma_semaphore, #tpu.memory_space<semaphore_mem>>
      %dma_start3A_712 = arith.constant 0 : i32
      %dma_start3A_713 = arith.constant 0 : i32
      %dma_start3A_714 = tpu.memref_slice %arg9[%dma_start3A_712, %dma_start3A_713] : memref<768x128xf32, #tpu.memory_space<vmem>> -> memref<112x128xf32, #tpu.memory_space<vmem>>
      %dma_start3A_715 = arith.constant 0 : i32
      %dma_start3A_716 = tpu.memref_slice %arg4[%mul3A_691, %dma_start3A_715] : memref<3584x128xf32, #tpu.memory_space<hbm>> -> memref<112x128xf32, #tpu.memory_space<hbm>>
      %dma_start3A_717 = arith.constant 0 : i32
      %dma_start3A_718 = tpu.memref_slice %arg4[%mul3A_691, %dma_start3A_717] : memref<3584x128xf32, #tpu.memory_space<hbm>> -> memref<112x128xf32, #tpu.memory_space<hbm>>
      %dma_start3A_719 = arith.constant 0 : i32
      %dma_start3A_720 = arith.constant 0 : i32
      %dma_start3A_721 = tpu.memref_slice %arg9[%dma_start3A_719, %dma_start3A_720] : memref<768x128xf32, #tpu.memory_space<vmem>> -> memref<112x128xf32, #tpu.memory_space<vmem>>
      tpu.enqueue_dma source(%dma_start3A_721 : memref<112x128xf32, #tpu.memory_space<vmem>>) target(%dma_start3A_718 : memref<112x128xf32, #tpu.memory_space<hbm>>) target_semaphore(%run_scoped3A : memref<!tpu.dma_semaphore, #tpu.memory_space<semaphore_mem>>)
      %dma_wait3A_722 = arith.constant 0 : i32
      %dma_wait3A_723 = arith.constant 0 : i32
      %dma_wait3A_724 = tpu.memref_slice %arg9[%dma_wait3A_722, %dma_wait3A_723] : memref<768x128xf32, #tpu.memory_space<vmem>> -> memref<112x128xf32, #tpu.memory_space<vmem>>
      %dma_wait3A_725 = arith.constant 0 : i32
      %dma_wait3A_726 = tpu.memref_slice %arg4[%mul3A_691, %dma_wait3A_725] : memref<3584x128xf32, #tpu.memory_space<hbm>> -> memref<112x128xf32, #tpu.memory_space<hbm>>
      %dma_wait3A_727 = arith.constant 0 : i32
      %dma_wait3A_728 = tpu.memref_slice %arg4[%mul3A_691, %dma_wait3A_727] : memref<3584x128xf32, #tpu.memory_space<hbm>> -> memref<112x128xf32, #tpu.memory_space<hbm>>
      %dma_wait3A_729 = arith.constant 0 : i32
      %dma_wait3A_730 = arith.constant 0 : i32
      %dma_wait3A_731 = tpu.memref_slice %arg9[%dma_wait3A_729, %dma_wait3A_730] : memref<768x128xf32, #tpu.memory_space<vmem>> -> memref<112x128xf32, #tpu.memory_space<vmem>>
      tpu.wait_dma2 semaphore(%run_scoped3A : memref<!tpu.dma_semaphore, #tpu.memory_space<semaphore_mem>>) src(%dma_wait3A_731 : memref<112x128xf32, #tpu.memory_space<vmem>>) dst(%dma_wait3A_728 : memref<112x128xf32, #tpu.memory_space<hbm>>)
      tpu.yield
    }) : () -> ()
    %add3A_692 = arith.constant 0 : i32
    %add3A_693 = arith.addi %mul3A_0, %add3A_692 : i32
    %mul3A_694 = arith.constant 112 : i32
    %mul3A_695 = arith.muli %add3A_693, %mul3A_694 : i32
    "tpu.region"() ({
      %run_scoped3A = tpu.sem_alloc : memref<!tpu.dma_semaphore, #tpu.memory_space<semaphore_mem>>
      %dma_start3A_712 = arith.constant 112 : i32
      %dma_start3A_713 = arith.constant 0 : i32
      %dma_start3A_714 = tpu.memref_slice %arg9[%dma_start3A_712, %dma_start3A_713] : memref<768x128xf32, #tpu.memory_space<vmem>> -> memref<112x128xf32, #tpu.memory_space<vmem>>
      %dma_start3A_715 = arith.constant 0 : i32
      %dma_start3A_716 = tpu.memref_slice %arg5[%mul3A_695, %dma_start3A_715] : memref<3584x128xf32, #tpu.memory_space<hbm>> -> memref<112x128xf32, #tpu.memory_space<hbm>>
      %dma_start3A_717 = arith.constant 0 : i32
      %dma_start3A_718 = tpu.memref_slice %arg5[%mul3A_695, %dma_start3A_717] : memref<3584x128xf32, #tpu.memory_space<hbm>> -> memref<112x128xf32, #tpu.memory_space<hbm>>
      %dma_start3A_719 = arith.constant 112 : i32
      %dma_start3A_720 = arith.constant 0 : i32
      %dma_start3A_721 = tpu.memref_slice %arg9[%dma_start3A_719, %dma_start3A_720] : memref<768x128xf32, #tpu.memory_space<vmem>> -> memref<112x128xf32, #tpu.memory_space<vmem>>
      tpu.enqueue_dma source(%dma_start3A_721 : memref<112x128xf32, #tpu.memory_space<vmem>>) target(%dma_start3A_718 : memref<112x128xf32, #tpu.memory_space<hbm>>) target_semaphore(%run_scoped3A : memref<!tpu.dma_semaphore, #tpu.memory_space<semaphore_mem>>)
      %dma_wait3A_722 = arith.constant 112 : i32
      %dma_wait3A_723 = arith.constant 0 : i32
      %dma_wait3A_724 = tpu.memref_slice %arg9[%dma_wait3A_722, %dma_wait3A_723] : memref<768x128xf32, #tpu.memory_space<vmem>> -> memref<112x128xf32, #tpu.memory_space<vmem>>
      %dma_wait3A_725 = arith.constant 0 : i32
      %dma_wait3A_726 = tpu.memref_slice %arg5[%mul3A_695, %dma_wait3A_725] : memref<3584x128xf32, #tpu.memory_space<hbm>> -> memref<112x128xf32, #tpu.memory_space<hbm>>
      %dma_wait3A_727 = arith.constant 0 : i32
      %dma_wait3A_728 = tpu.memref_slice %arg5[%mul3A_695, %dma_wait3A_727] : memref<3584x128xf32, #tpu.memory_space<hbm>> -> memref<112x128xf32, #tpu.memory_space<hbm>>
      %dma_wait3A_729 = arith.constant 112 : i32
      %dma_wait3A_730 = arith.constant 0 : i32
      %dma_wait3A_731 = tpu.memref_slice %arg9[%dma_wait3A_729, %dma_wait3A_730] : memref<768x128xf32, #tpu.memory_space<vmem>> -> memref<112x128xf32, #tpu.memory_space<vmem>>
      tpu.wait_dma2 semaphore(%run_scoped3A : memref<!tpu.dma_semaphore, #tpu.memory_space<semaphore_mem>>) src(%dma_wait3A_731 : memref<112x128xf32, #tpu.memory_space<vmem>>) dst(%dma_wait3A_728 : memref<112x128xf32, #tpu.memory_space<hbm>>)
      tpu.yield
    }) : () -> ()
    %add3A_696 = arith.constant 0 : i32
    %add3A_697 = arith.addi %mul3A_0, %add3A_696 : i32
    %mul3A_698 = arith.constant 112 : i32
    %mul3A_699 = arith.muli %add3A_697, %mul3A_698 : i32
    "tpu.region"() ({
      %run_scoped3A = tpu.sem_alloc : memref<!tpu.dma_semaphore, #tpu.memory_space<semaphore_mem>>
      %dma_start3A_712 = arith.constant 224 : i32
      %dma_start3A_713 = arith.constant 0 : i32
      %dma_start3A_714 = tpu.memref_slice %arg9[%dma_start3A_712, %dma_start3A_713] : memref<768x128xf32, #tpu.memory_space<vmem>> -> memref<112x128xf32, #tpu.memory_space<vmem>>
      %dma_start3A_715 = arith.constant 0 : i32
      %dma_start3A_716 = tpu.memref_slice %arg6[%mul3A_699, %dma_start3A_715] : memref<3584x128xf32, #tpu.memory_space<hbm>> -> memref<112x128xf32, #tpu.memory_space<hbm>>
      %dma_start3A_717 = arith.constant 0 : i32
      %dma_start3A_718 = tpu.memref_slice %arg6[%mul3A_699, %dma_start3A_717] : memref<3584x128xf32, #tpu.memory_space<hbm>> -> memref<112x128xf32, #tpu.memory_space<hbm>>
      %dma_start3A_719 = arith.constant 224 : i32
      %dma_start3A_720 = arith.constant 0 : i32
      %dma_start3A_721 = tpu.memref_slice %arg9[%dma_start3A_719, %dma_start3A_720] : memref<768x128xf32, #tpu.memory_space<vmem>> -> memref<112x128xf32, #tpu.memory_space<vmem>>
      tpu.enqueue_dma source(%dma_start3A_721 : memref<112x128xf32, #tpu.memory_space<vmem>>) target(%dma_start3A_718 : memref<112x128xf32, #tpu.memory_space<hbm>>) target_semaphore(%run_scoped3A : memref<!tpu.dma_semaphore, #tpu.memory_space<semaphore_mem>>)
      %dma_wait3A_722 = arith.constant 224 : i32
      %dma_wait3A_723 = arith.constant 0 : i32
      %dma_wait3A_724 = tpu.memref_slice %arg9[%dma_wait3A_722, %dma_wait3A_723] : memref<768x128xf32, #tpu.memory_space<vmem>> -> memref<112x128xf32, #tpu.memory_space<vmem>>
      %dma_wait3A_725 = arith.constant 0 : i32
      %dma_wait3A_726 = tpu.memref_slice %arg6[%mul3A_699, %dma_wait3A_725] : memref<3584x128xf32, #tpu.memory_space<hbm>> -> memref<112x128xf32, #tpu.memory_space<hbm>>
      %dma_wait3A_727 = arith.constant 0 : i32
      %dma_wait3A_728 = tpu.memref_slice %arg6[%mul3A_699, %dma_wait3A_727] : memref<3584x128xf32, #tpu.memory_space<hbm>> -> memref<112x128xf32, #tpu.memory_space<hbm>>
      %dma_wait3A_729 = arith.constant 224 : i32
      %dma_wait3A_730 = arith.constant 0 : i32
      %dma_wait3A_731 = tpu.memref_slice %arg9[%dma_wait3A_729, %dma_wait3A_730] : memref<768x128xf32, #tpu.memory_space<vmem>> -> memref<112x128xf32, #tpu.memory_space<vmem>>
      tpu.wait_dma2 semaphore(%run_scoped3A : memref<!tpu.dma_semaphore, #tpu.memory_space<semaphore_mem>>) src(%dma_wait3A_731 : memref<112x128xf32, #tpu.memory_space<vmem>>) dst(%dma_wait3A_728 : memref<112x128xf32, #tpu.memory_space<hbm>>)
      tpu.yield
    }) : () -> ()
    %add3A_700 = arith.constant 1 : i32
    %add3A_701 = arith.addi %mul3A_0, %add3A_700 : i32
    %mul3A_702 = arith.constant 112 : i32
    %mul3A_703 = arith.muli %add3A_701, %mul3A_702 : i32
    "tpu.region"() ({
      %run_scoped3A = tpu.sem_alloc : memref<!tpu.dma_semaphore, #tpu.memory_space<semaphore_mem>>
      %dma_start3A_712 = arith.constant 336 : i32
      %dma_start3A_713 = arith.constant 0 : i32
      %dma_start3A_714 = tpu.memref_slice %arg9[%dma_start3A_712, %dma_start3A_713] : memref<768x128xf32, #tpu.memory_space<vmem>> -> memref<112x128xf32, #tpu.memory_space<vmem>>
      %dma_start3A_715 = arith.constant 0 : i32
      %dma_start3A_716 = tpu.memref_slice %arg4[%mul3A_703, %dma_start3A_715] : memref<3584x128xf32, #tpu.memory_space<hbm>> -> memref<112x128xf32, #tpu.memory_space<hbm>>
      %dma_start3A_717 = arith.constant 0 : i32
      %dma_start3A_718 = tpu.memref_slice %arg4[%mul3A_703, %dma_start3A_717] : memref<3584x128xf32, #tpu.memory_space<hbm>> -> memref<112x128xf32, #tpu.memory_space<hbm>>
      %dma_start3A_719 = arith.constant 336 : i32
      %dma_start3A_720 = arith.constant 0 : i32
      %dma_start3A_721 = tpu.memref_slice %arg9[%dma_start3A_719, %dma_start3A_720] : memref<768x128xf32, #tpu.memory_space<vmem>> -> memref<112x128xf32, #tpu.memory_space<vmem>>
      tpu.enqueue_dma source(%dma_start3A_721 : memref<112x128xf32, #tpu.memory_space<vmem>>) target(%dma_start3A_718 : memref<112x128xf32, #tpu.memory_space<hbm>>) target_semaphore(%run_scoped3A : memref<!tpu.dma_semaphore, #tpu.memory_space<semaphore_mem>>)
      %dma_wait3A_722 = arith.constant 336 : i32
      %dma_wait3A_723 = arith.constant 0 : i32
      %dma_wait3A_724 = tpu.memref_slice %arg9[%dma_wait3A_722, %dma_wait3A_723] : memref<768x128xf32, #tpu.memory_space<vmem>> -> memref<112x128xf32, #tpu.memory_space<vmem>>
      %dma_wait3A_725 = arith.constant 0 : i32
      %dma_wait3A_726 = tpu.memref_slice %arg4[%mul3A_703, %dma_wait3A_725] : memref<3584x128xf32, #tpu.memory_space<hbm>> -> memref<112x128xf32, #tpu.memory_space<hbm>>
      %dma_wait3A_727 = arith.constant 0 : i32
      %dma_wait3A_728 = tpu.memref_slice %arg4[%mul3A_703, %dma_wait3A_727] : memref<3584x128xf32, #tpu.memory_space<hbm>> -> memref<112x128xf32, #tpu.memory_space<hbm>>
      %dma_wait3A_729 = arith.constant 336 : i32
      %dma_wait3A_730 = arith.constant 0 : i32
      %dma_wait3A_731 = tpu.memref_slice %arg9[%dma_wait3A_729, %dma_wait3A_730] : memref<768x128xf32, #tpu.memory_space<vmem>> -> memref<112x128xf32, #tpu.memory_space<vmem>>
      tpu.wait_dma2 semaphore(%run_scoped3A : memref<!tpu.dma_semaphore, #tpu.memory_space<semaphore_mem>>) src(%dma_wait3A_731 : memref<112x128xf32, #tpu.memory_space<vmem>>) dst(%dma_wait3A_728 : memref<112x128xf32, #tpu.memory_space<hbm>>)
      tpu.yield
    }) : () -> ()
    %add3A_704 = arith.constant 1 : i32
    %add3A_705 = arith.addi %mul3A_0, %add3A_704 : i32
    %mul3A_706 = arith.constant 112 : i32
    %mul3A_707 = arith.muli %add3A_705, %mul3A_706 : i32
    "tpu.region"() ({
      %run_scoped3A = tpu.sem_alloc : memref<!tpu.dma_semaphore, #tpu.memory_space<semaphore_mem>>
      %dma_start3A_712 = arith.constant 448 : i32
      %dma_start3A_713 = arith.constant 0 : i32
      %dma_start3A_714 = tpu.memref_slice %arg9[%dma_start3A_712, %dma_start3A_713] : memref<768x128xf32, #tpu.memory_space<vmem>> -> memref<112x128xf32, #tpu.memory_space<vmem>>
      %dma_start3A_715 = arith.constant 0 : i32
      %dma_start3A_716 = tpu.memref_slice %arg5[%mul3A_707, %dma_start3A_715] : memref<3584x128xf32, #tpu.memory_space<hbm>> -> memref<112x128xf32, #tpu.memory_space<hbm>>
      %dma_start3A_717 = arith.constant 0 : i32
      %dma_start3A_718 = tpu.memref_slice %arg5[%mul3A_707, %dma_start3A_717] : memref<3584x128xf32, #tpu.memory_space<hbm>> -> memref<112x128xf32, #tpu.memory_space<hbm>>
      %dma_start3A_719 = arith.constant 448 : i32
      %dma_start3A_720 = arith.constant 0 : i32
      %dma_start3A_721 = tpu.memref_slice %arg9[%dma_start3A_719, %dma_start3A_720] : memref<768x128xf32, #tpu.memory_space<vmem>> -> memref<112x128xf32, #tpu.memory_space<vmem>>
      tpu.enqueue_dma source(%dma_start3A_721 : memref<112x128xf32, #tpu.memory_space<vmem>>) target(%dma_start3A_718 : memref<112x128xf32, #tpu.memory_space<hbm>>) target_semaphore(%run_scoped3A : memref<!tpu.dma_semaphore, #tpu.memory_space<semaphore_mem>>)
      %dma_wait3A_722 = arith.constant 448 : i32
      %dma_wait3A_723 = arith.constant 0 : i32
      %dma_wait3A_724 = tpu.memref_slice %arg9[%dma_wait3A_722, %dma_wait3A_723] : memref<768x128xf32, #tpu.memory_space<vmem>> -> memref<112x128xf32, #tpu.memory_space<vmem>>
      %dma_wait3A_725 = arith.constant 0 : i32
      %dma_wait3A_726 = tpu.memref_slice %arg5[%mul3A_707, %dma_wait3A_725] : memref<3584x128xf32, #tpu.memory_space<hbm>> -> memref<112x128xf32, #tpu.memory_space<hbm>>
      %dma_wait3A_727 = arith.constant 0 : i32
      %dma_wait3A_728 = tpu.memref_slice %arg5[%mul3A_707, %dma_wait3A_727] : memref<3584x128xf32, #tpu.memory_space<hbm>> -> memref<112x128xf32, #tpu.memory_space<hbm>>
      %dma_wait3A_729 = arith.constant 448 : i32
      %dma_wait3A_730 = arith.constant 0 : i32
      %dma_wait3A_731 = tpu.memref_slice %arg9[%dma_wait3A_729, %dma_wait3A_730] : memref<768x128xf32, #tpu.memory_space<vmem>> -> memref<112x128xf32, #tpu.memory_space<vmem>>
      tpu.wait_dma2 semaphore(%run_scoped3A : memref<!tpu.dma_semaphore, #tpu.memory_space<semaphore_mem>>) src(%dma_wait3A_731 : memref<112x128xf32, #tpu.memory_space<vmem>>) dst(%dma_wait3A_728 : memref<112x128xf32, #tpu.memory_space<hbm>>)
      tpu.yield
    }) : () -> ()
    %add3A_708 = arith.constant 1 : i32
    %add3A_709 = arith.addi %mul3A_0, %add3A_708 : i32
    %mul3A_710 = arith.constant 112 : i32
    %mul3A_711 = arith.muli %add3A_709, %mul3A_710 : i32
    "tpu.region"() ({
      %run_scoped3A = tpu.sem_alloc : memref<!tpu.dma_semaphore, #tpu.memory_space<semaphore_mem>>
      %dma_start3A_712 = arith.constant 560 : i32
      %dma_start3A_713 = arith.constant 0 : i32
      %dma_start3A_714 = tpu.memref_slice %arg9[%dma_start3A_712, %dma_start3A_713] : memref<768x128xf32, #tpu.memory_space<vmem>> -> memref<112x128xf32, #tpu.memory_space<vmem>>
      %dma_start3A_715 = arith.constant 0 : i32
      %dma_start3A_716 = tpu.memref_slice %arg6[%mul3A_711, %dma_start3A_715] : memref<3584x128xf32, #tpu.memory_space<hbm>> -> memref<112x128xf32, #tpu.memory_space<hbm>>
      %dma_start3A_717 = arith.constant 0 : i32
      %dma_start3A_718 = tpu.memref_slice %arg6[%mul3A_711, %dma_start3A_717] : memref<3584x128xf32, #tpu.memory_space<hbm>> -> memref<112x128xf32, #tpu.memory_space<hbm>>
      %dma_start3A_719 = arith.constant 560 : i32
      %dma_start3A_720 = arith.constant 0 : i32
      %dma_start3A_721 = tpu.memref_slice %arg9[%dma_start3A_719, %dma_start3A_720] : memref<768x128xf32, #tpu.memory_space<vmem>> -> memref<112x128xf32, #tpu.memory_space<vmem>>
      tpu.enqueue_dma source(%dma_start3A_721 : memref<112x128xf32, #tpu.memory_space<vmem>>) target(%dma_start3A_718 : memref<112x128xf32, #tpu.memory_space<hbm>>) target_semaphore(%run_scoped3A : memref<!tpu.dma_semaphore, #tpu.memory_space<semaphore_mem>>)
      %dma_wait3A_722 = arith.constant 560 : i32
      %dma_wait3A_723 = arith.constant 0 : i32
      %dma_wait3A_724 = tpu.memref_slice %arg9[%dma_wait3A_722, %dma_wait3A_723] : memref<768x128xf32, #tpu.memory_space<vmem>> -> memref<112x128xf32, #tpu.memory_space<vmem>>
      %dma_wait3A_725 = arith.constant 0 : i32
      %dma_wait3A_726 = tpu.memref_slice %arg6[%mul3A_711, %dma_wait3A_725] : memref<3584x128xf32, #tpu.memory_space<hbm>> -> memref<112x128xf32, #tpu.memory_space<hbm>>
      %dma_wait3A_727 = arith.constant 0 : i32
      %dma_wait3A_728 = tpu.memref_slice %arg6[%mul3A_711, %dma_wait3A_727] : memref<3584x128xf32, #tpu.memory_space<hbm>> -> memref<112x128xf32, #tpu.memory_space<hbm>>
      %dma_wait3A_729 = arith.constant 560 : i32
      %dma_wait3A_730 = arith.constant 0 : i32
      %dma_wait3A_731 = tpu.memref_slice %arg9[%dma_wait3A_729, %dma_wait3A_730] : memref<768x128xf32, #tpu.memory_space<vmem>> -> memref<112x128xf32, #tpu.memory_space<vmem>>
      tpu.wait_dma2 semaphore(%run_scoped3A : memref<!tpu.dma_semaphore, #tpu.memory_space<semaphore_mem>>) src(%dma_wait3A_731 : memref<112x128xf32, #tpu.memory_space<vmem>>) dst(%dma_wait3A_728 : memref<112x128xf32, #tpu.memory_space<hbm>>)
      tpu.yield
    }) : () -> ()
    return
  }
}

module attributes {stable_mosaic.version = 14 : i64} {
  func.func @_tc_kernel(%arg0: i32, %arg1: memref<896x128xf32, #tpu.memory_space<vmem>>, %arg2: memref<896x128xf32, #tpu.memory_space<vmem>>, %arg3: memref<896x128xf32, #tpu.memory_space<vmem>>, %arg4: memref<896x96xf32, #tpu.memory_space<vmem>>, %arg5: memref<896x1xi32, #tpu.memory_space<vmem>>, %arg6: memref<896x200xf32, #tpu.memory_space<vmem>>, %arg7: memref<96x17xf32, #tpu.memory_space<vmem>>, %arg8: memref<1x17xf32, #tpu.memory_space<vmem>>, %arg9: memref<1x40xf32, #tpu.memory_space<vmem>>, %arg10: memref<1x40xf32, #tpu.memory_space<vmem>>, %arg11: memref<896x160xf32, #tpu.memory_space<vmem>>) attributes {dimension_semantics = [#tpu.dimension_semantics<arbitrary>], iteration_bounds = array<i64: 4>, scalar_prefetch = 0 : i64, scratch_operands = 0 : i64, tpu.core_type = #tpu.core_type<tc>, window_params = [{transform_indices = @transform_0, window_bounds = array<i64: 896, 128>}, {transform_indices = @transform_1, window_bounds = array<i64: 896, 128>}, {transform_indices = @transform_2, window_bounds = array<i64: 896, 128>}, {transform_indices = @transform_3, window_bounds = array<i64: 896, 96>}, {transform_indices = @transform_4, window_bounds = array<i64: 896, 1>}, {transform_indices = @transform_5, window_bounds = array<i64: 896, 200>}, {pipeline_mode = #tpu.pipeline_mode<synchronous>, transform_indices = @transform_6, window_bounds = array<i64: 96, 17>}, {pipeline_mode = #tpu.pipeline_mode<synchronous>, transform_indices = @transform_7, window_bounds = array<i64: 1, 17>}, {pipeline_mode = #tpu.pipeline_mode<synchronous>, transform_indices = @transform_8, window_bounds = array<i64: 1, 40>}, {pipeline_mode = #tpu.pipeline_mode<synchronous>, transform_indices = @transform_9, window_bounds = array<i64: 1, 40>}, {transform_indices = @transform_10, window_bounds = array<i64: 896, 160>}]} {
    %get3A = arith.constant 0 : index
    %get3A_0 = arith.constant 0 : index
    %get3A_1 = vector.load %arg4[%get3A, %get3A_0] : memref<896x96xf32, #tpu.memory_space<vmem>>, vector<896x96xf32>
    %get3A_2 = arith.constant 0 : index
    %get3A_3 = arith.constant 0 : index
    %get3A_4 = vector.load %arg7[%get3A_2, %get3A_3] : memref<96x17xf32, #tpu.memory_space<vmem>>, vector<96x17xf32>
    %dot_general3A = arith.constant dense<0.000000e+00> : vector<896x17xf32>
    %dot_general3A_5 = tpu.matmul %get3A_1, %get3A_4, %dot_general3A {dimension_numbers = #tpu.dot_dimension_numbers<[1], [0], [0], [1], [0, 0, 1, 1], [], []>, transpose_lhs_hint = false} : vector<896x96xf32>, vector<96x17xf32>, vector<896x17xf32> -> vector<896x17xf32>
    %get3A_6 = arith.constant 0 : index
    %get3A_7 = arith.constant 0 : index
    %get3A_8 = vector.load %arg8[%get3A_6, %get3A_7] : memref<1x17xf32, #tpu.memory_space<vmem>>, vector<1x17xf32>
    %add3A = vector.broadcast %get3A_8 : vector<1x17xf32> to vector<896x17xf32>
    %add3A_9 = arith.addf %dot_general3A_5, %add3A : vector<896x17xf32>
    %slice3A = vector.extract_strided_slice %add3A_9 {offsets = [0, 0], sizes = [896, 15], strides = [1, 1]} : vector<896x17xf32> to vector<896x15xf32>
    %mul3A = arith.mulf %slice3A, %slice3A : vector<896x15xf32>
    %reduce_sum3A = arith.constant dense<0.000000e+00> : vector<896xf32>
    %reduce_sum3A_10 = vector.multi_reduction <add>, %mul3A, %reduce_sum3A [1] : vector<896x15xf32> to vector<896xf32>
    %broadcast_in_dim3A = vector.shape_cast %reduce_sum3A_10 : vector<896xf32> to vector<896x1xf32>
    %sqrt3A = math.sqrt %broadcast_in_dim3A : vector<896x1xf32>
    %add3A_11 = arith.constant 9.99999997E-7 : f32
    %add3A_12 = vector.broadcast %add3A_11 : f32 to vector<896x1xf32>
    %add3A_13 = arith.addf %add3A_12, %sqrt3A : vector<896x1xf32>
    %div3A = vector.broadcast %add3A_13 : vector<896x1xf32> to vector<896x15xf32>
    %div3A_14 = arith.divf %slice3A, %div3A : vector<896x15xf32>
    %slice3A_15 = vector.extract_strided_slice %add3A_9 {offsets = [0, 15], sizes = [896, 1], strides = [1, 1]} : vector<896x17xf32> to vector<896x1xf32>
    %max3A = arith.constant 0.000000e+00 : f32
    %max3A_16 = vector.broadcast %max3A : f32 to vector<896x1xf32>
    %max3A_17 = arith.maximumf %slice3A_15, %max3A_16 : vector<896x1xf32>
    %neg3A = arith.constant 0.000000e+00 : f32
    %neg3A_18 = vector.broadcast %neg3A : f32 to vector<896x1xf32>
    %neg3A_19 = arith.subf %neg3A_18, %max3A_17 : vector<896x1xf32>
    %add3A_20 = arith.constant 1.15129256 : f32
    %add3A_21 = vector.broadcast %add3A_20 : f32 to vector<896x1xf32>
    %add3A_22 = arith.addf %neg3A_19, %add3A_21 : vector<896x1xf32>
    %exp3A = math.exp %add3A_22 : vector<896x1xf32>
    %slice3A_23 = vector.extract_strided_slice %add3A_9 {offsets = [0, 16], sizes = [896, 1], strides = [1, 1]} : vector<896x17xf32> to vector<896x1xf32>
    %tanh3A = math.tanh %slice3A_23 : vector<896x1xf32>
    %mul3A_24 = arith.constant 0.690775514 : f32
    %mul3A_25 = vector.broadcast %mul3A_24 : f32 to vector<896x1xf32>
    %mul3A_26 = arith.mulf %mul3A_25, %tanh3A : vector<896x1xf32>
    %exp3A_27 = math.exp %mul3A_26 : vector<896x1xf32>
    %get3A_28 = arith.constant 0 : index
    %get3A_29 = arith.constant 0 : index
    %get3A_30 = vector.load %arg1[%get3A_28, %get3A_29] : memref<896x128xf32, #tpu.memory_space<vmem>>, vector<896x128xf32>
    %get3A_31 = arith.constant 0 : index
    %get3A_32 = arith.constant 0 : index
    %get3A_33 = vector.load %arg2[%get3A_31, %get3A_32] : memref<896x128xf32, #tpu.memory_space<vmem>>, vector<896x128xf32>
    %get3A_34 = arith.constant 0 : index
    %get3A_35 = arith.constant 0 : index
    %get3A_36 = vector.load %arg3[%get3A_34, %get3A_35] : memref<896x128xf32, #tpu.memory_space<vmem>>, vector<896x128xf32>
    %concatenate3A = tpu.concatenate %get3A_30, %get3A_33, %get3A_36 in 1 : vector<896x128xf32>, vector<896x128xf32>, vector<896x128xf32> -> vector<896x384xf32>
    %get3A_37 = arith.constant 0 : index
    %get3A_38 = arith.constant 0 : index
    %get3A_39 = vector.load %arg5[%get3A_37, %get3A_38] : memref<896x1xi32, #tpu.memory_space<vmem>>, vector<896x1xi32>
    %iota3A = tpu.iota {dimensions = array<i32: 0>} : vector<896x1xi32>
    %rem3A = arith.constant 112 : i32
    %rem3A_40 = vector.broadcast %rem3A : i32 to vector<896x1xi32>
    %rem3A_41 = arith.remsi %iota3A, %rem3A_40 : vector<896x1xi32>
    %mul3A_42 = arith.constant 160 : i32
    %mul3A_43 = vector.broadcast %mul3A_42 : i32 to vector<896x1xi32>
    %mul3A_44 = arith.muli %rem3A_41, %mul3A_43 : vector<896x1xi32>
    %add3A_45 = arith.constant 256 : i32
    %add3A_46 = vector.broadcast %add3A_45 : i32 to vector<896x1xi32>
    %add3A_47 = arith.addi %mul3A_44, %add3A_46 : vector<896x1xi32>
    %sub3A = arith.subi %add3A_47, %get3A_39 : vector<896x1xi32>
    %and3A = arith.constant 127 : i32
    %and3A_48 = vector.broadcast %and3A : i32 to vector<896x1xi32>
    %and3A_49 = arith.andi %sub3A, %and3A_48 : vector<896x1xi32>
    %slice3A_50 = vector.extract_strided_slice %concatenate3A {offsets = [0, 64], sizes = [896, 320], strides = [1, 1]} : vector<896x384xf32> to vector<896x320xf32>
    %broadcast_in_dim3A_51 = arith.constant 0.000000e+00 : f32
    %broadcast_in_dim3A_52 = vector.broadcast %broadcast_in_dim3A_51 : f32 to vector<896x64xf32>
    %concatenate3A_53 = tpu.concatenate %slice3A_50, %broadcast_in_dim3A_52 in 1 : vector<896x320xf32>, vector<896x64xf32> -> vector<896x384xf32>
    %and3A_54 = arith.constant 64 : i32
    %and3A_55 = vector.broadcast %and3A_54 : i32 to vector<896x1xi32>
    %and3A_56 = arith.andi %and3A_49, %and3A_55 : vector<896x1xi32>
    %ne3A = arith.constant 0 : i32
    %ne3A_57 = vector.broadcast %ne3A : i32 to vector<896x1xi32>
    %ne3A_58 = arith.cmpi ne, %and3A_56, %ne3A_57 : vector<896x1xi32>
    %broadcast_in_dim3A_59 = vector.shape_cast %ne3A_58 : vector<896x1xi1> to vector<896x1xi1>
    %broadcast_in_dim3A_60 = vector.broadcast %broadcast_in_dim3A_59 : vector<896x1xi1> to vector<896x384xi1>
    %select_n3A = arith.select %broadcast_in_dim3A_60, %concatenate3A_53, %concatenate3A : vector<896x384xi1>, vector<896x384xf32>
    %slice3A_61 = vector.extract_strided_slice %select_n3A {offsets = [0, 32], sizes = [896, 352], strides = [1, 1]} : vector<896x384xf32> to vector<896x352xf32>
    %broadcast_in_dim3A_62 = arith.constant 0.000000e+00 : f32
    %broadcast_in_dim3A_63 = vector.broadcast %broadcast_in_dim3A_62 : f32 to vector<896x32xf32>
    %concatenate3A_64 = tpu.concatenate %slice3A_61, %broadcast_in_dim3A_63 in 1 : vector<896x352xf32>, vector<896x32xf32> -> vector<896x384xf32>
    %and3A_65 = arith.constant 32 : i32
    %and3A_66 = vector.broadcast %and3A_65 : i32 to vector<896x1xi32>
    %and3A_67 = arith.andi %and3A_49, %and3A_66 : vector<896x1xi32>
    %ne3A_68 = arith.constant 0 : i32
    %ne3A_69 = vector.broadcast %ne3A_68 : i32 to vector<896x1xi32>
    %ne3A_70 = arith.cmpi ne, %and3A_67, %ne3A_69 : vector<896x1xi32>
    %broadcast_in_dim3A_71 = vector.shape_cast %ne3A_70 : vector<896x1xi1> to vector<896x1xi1>
    %broadcast_in_dim3A_72 = vector.broadcast %broadcast_in_dim3A_71 : vector<896x1xi1> to vector<896x384xi1>
    %select_n3A_73 = arith.select %broadcast_in_dim3A_72, %concatenate3A_64, %select_n3A : vector<896x384xi1>, vector<896x384xf32>
    %slice3A_74 = vector.extract_strided_slice %select_n3A_73 {offsets = [0, 16], sizes = [896, 368], strides = [1, 1]} : vector<896x384xf32> to vector<896x368xf32>
    %broadcast_in_dim3A_75 = arith.constant 0.000000e+00 : f32
    %broadcast_in_dim3A_76 = vector.broadcast %broadcast_in_dim3A_75 : f32 to vector<896x16xf32>
    %concatenate3A_77 = tpu.concatenate %slice3A_74, %broadcast_in_dim3A_76 in 1 : vector<896x368xf32>, vector<896x16xf32> -> vector<896x384xf32>
    %and3A_78 = arith.constant 16 : i32
    %and3A_79 = vector.broadcast %and3A_78 : i32 to vector<896x1xi32>
    %and3A_80 = arith.andi %and3A_49, %and3A_79 : vector<896x1xi32>
    %ne3A_81 = arith.constant 0 : i32
    %ne3A_82 = vector.broadcast %ne3A_81 : i32 to vector<896x1xi32>
    %ne3A_83 = arith.cmpi ne, %and3A_80, %ne3A_82 : vector<896x1xi32>
    %broadcast_in_dim3A_84 = vector.shape_cast %ne3A_83 : vector<896x1xi1> to vector<896x1xi1>
    %broadcast_in_dim3A_85 = vector.broadcast %broadcast_in_dim3A_84 : vector<896x1xi1> to vector<896x384xi1>
    %select_n3A_86 = arith.select %broadcast_in_dim3A_85, %concatenate3A_77, %select_n3A_73 : vector<896x384xi1>, vector<896x384xf32>
    %slice3A_87 = vector.extract_strided_slice %select_n3A_86 {offsets = [0, 8], sizes = [896, 376], strides = [1, 1]} : vector<896x384xf32> to vector<896x376xf32>
    %broadcast_in_dim3A_88 = arith.constant 0.000000e+00 : f32
    %broadcast_in_dim3A_89 = vector.broadcast %broadcast_in_dim3A_88 : f32 to vector<896x8xf32>
    %concatenate3A_90 = tpu.concatenate %slice3A_87, %broadcast_in_dim3A_89 in 1 : vector<896x376xf32>, vector<896x8xf32> -> vector<896x384xf32>
    %and3A_91 = arith.constant 8 : i32
    %and3A_92 = vector.broadcast %and3A_91 : i32 to vector<896x1xi32>
    %and3A_93 = arith.andi %and3A_49, %and3A_92 : vector<896x1xi32>
    %ne3A_94 = arith.constant 0 : i32
    %ne3A_95 = vector.broadcast %ne3A_94 : i32 to vector<896x1xi32>
    %ne3A_96 = arith.cmpi ne, %and3A_93, %ne3A_95 : vector<896x1xi32>
    %broadcast_in_dim3A_97 = vector.shape_cast %ne3A_96 : vector<896x1xi1> to vector<896x1xi1>
    %broadcast_in_dim3A_98 = vector.broadcast %broadcast_in_dim3A_97 : vector<896x1xi1> to vector<896x384xi1>
    %select_n3A_99 = arith.select %broadcast_in_dim3A_98, %concatenate3A_90, %select_n3A_86 : vector<896x384xi1>, vector<896x384xf32>
    %slice3A_100 = vector.extract_strided_slice %select_n3A_99 {offsets = [0, 4], sizes = [896, 380], strides = [1, 1]} : vector<896x384xf32> to vector<896x380xf32>
    %broadcast_in_dim3A_101 = arith.constant 0.000000e+00 : f32
    %broadcast_in_dim3A_102 = vector.broadcast %broadcast_in_dim3A_101 : f32 to vector<896x4xf32>
    %concatenate3A_103 = tpu.concatenate %slice3A_100, %broadcast_in_dim3A_102 in 1 : vector<896x380xf32>, vector<896x4xf32> -> vector<896x384xf32>
    %and3A_104 = arith.constant 4 : i32
    %and3A_105 = vector.broadcast %and3A_104 : i32 to vector<896x1xi32>
    %and3A_106 = arith.andi %and3A_49, %and3A_105 : vector<896x1xi32>
    %ne3A_107 = arith.constant 0 : i32
    %ne3A_108 = vector.broadcast %ne3A_107 : i32 to vector<896x1xi32>
    %ne3A_109 = arith.cmpi ne, %and3A_106, %ne3A_108 : vector<896x1xi32>
    %broadcast_in_dim3A_110 = vector.shape_cast %ne3A_109 : vector<896x1xi1> to vector<896x1xi1>
    %broadcast_in_dim3A_111 = vector.broadcast %broadcast_in_dim3A_110 : vector<896x1xi1> to vector<896x384xi1>
    %select_n3A_112 = arith.select %broadcast_in_dim3A_111, %concatenate3A_103, %select_n3A_99 : vector<896x384xi1>, vector<896x384xf32>
    %slice3A_113 = vector.extract_strided_slice %select_n3A_112 {offsets = [0, 2], sizes = [896, 382], strides = [1, 1]} : vector<896x384xf32> to vector<896x382xf32>
    %broadcast_in_dim3A_114 = arith.constant 0.000000e+00 : f32
    %broadcast_in_dim3A_115 = vector.broadcast %broadcast_in_dim3A_114 : f32 to vector<896x2xf32>
    %concatenate3A_116 = tpu.concatenate %slice3A_113, %broadcast_in_dim3A_115 in 1 : vector<896x382xf32>, vector<896x2xf32> -> vector<896x384xf32>
    %and3A_117 = arith.constant 2 : i32
    %and3A_118 = vector.broadcast %and3A_117 : i32 to vector<896x1xi32>
    %and3A_119 = arith.andi %and3A_49, %and3A_118 : vector<896x1xi32>
    %ne3A_120 = arith.constant 0 : i32
    %ne3A_121 = vector.broadcast %ne3A_120 : i32 to vector<896x1xi32>
    %ne3A_122 = arith.cmpi ne, %and3A_119, %ne3A_121 : vector<896x1xi32>
    %broadcast_in_dim3A_123 = vector.shape_cast %ne3A_122 : vector<896x1xi1> to vector<896x1xi1>
    %broadcast_in_dim3A_124 = vector.broadcast %broadcast_in_dim3A_123 : vector<896x1xi1> to vector<896x384xi1>
    %select_n3A_125 = arith.select %broadcast_in_dim3A_124, %concatenate3A_116, %select_n3A_112 : vector<896x384xi1>, vector<896x384xf32>
    %slice3A_126 = vector.extract_strided_slice %select_n3A_125 {offsets = [0, 1], sizes = [896, 383], strides = [1, 1]} : vector<896x384xf32> to vector<896x383xf32>
    %broadcast_in_dim3A_127 = arith.constant 0.000000e+00 : f32
    %broadcast_in_dim3A_128 = vector.broadcast %broadcast_in_dim3A_127 : f32 to vector<896x1xf32>
    %concatenate3A_129 = tpu.concatenate %slice3A_126, %broadcast_in_dim3A_128 in 1 : vector<896x383xf32>, vector<896x1xf32> -> vector<896x384xf32>
    %and3A_130 = arith.constant 1 : i32
    %and3A_131 = vector.broadcast %and3A_130 : i32 to vector<896x1xi32>
    %and3A_132 = arith.andi %and3A_49, %and3A_131 : vector<896x1xi32>
    %ne3A_133 = arith.constant 0 : i32
    %ne3A_134 = vector.broadcast %ne3A_133 : i32 to vector<896x1xi32>
    %ne3A_135 = arith.cmpi ne, %and3A_132, %ne3A_134 : vector<896x1xi32>
    %broadcast_in_dim3A_136 = vector.shape_cast %ne3A_135 : vector<896x1xi1> to vector<896x1xi1>
    %broadcast_in_dim3A_137 = vector.broadcast %broadcast_in_dim3A_136 : vector<896x1xi1> to vector<896x384xi1>
    %select_n3A_138 = arith.select %broadcast_in_dim3A_137, %concatenate3A_129, %select_n3A_125 : vector<896x384xi1>, vector<896x384xf32>
    %broadcast_in_dim3A_139 = arith.constant 0.000000e+00 : f32
    %broadcast_in_dim3A_140 = vector.broadcast %broadcast_in_dim3A_139 : f32 to vector<896x200xf32>
    %slice3A_141 = vector.extract_strided_slice %div3A_14 {offsets = [0, 0], sizes = [896, 1], strides = [1, 1]} : vector<896x15xf32> to vector<896x1xf32>
    %slice3A_142 = vector.extract_strided_slice %select_n3A_138 {offsets = [0, 0], sizes = [896, 200], strides = [1, 1]} : vector<896x384xf32> to vector<896x200xf32>
    %mul3A_143 = vector.broadcast %slice3A_141 : vector<896x1xf32> to vector<896x200xf32>
    %mul3A_144 = arith.mulf %mul3A_143, %slice3A_142 : vector<896x200xf32>
    %add3A_145 = arith.addf %broadcast_in_dim3A_140, %mul3A_144 : vector<896x200xf32>
    %slice3A_146 = vector.extract_strided_slice %div3A_14 {offsets = [0, 1], sizes = [896, 1], strides = [1, 1]} : vector<896x15xf32> to vector<896x1xf32>
    %slice3A_147 = vector.extract_strided_slice %select_n3A_138 {offsets = [0, 1], sizes = [896, 200], strides = [1, 1]} : vector<896x384xf32> to vector<896x200xf32>
    %mul3A_148 = vector.broadcast %slice3A_146 : vector<896x1xf32> to vector<896x200xf32>
    %mul3A_149 = arith.mulf %mul3A_148, %slice3A_147 : vector<896x200xf32>
    %add3A_150 = arith.addf %add3A_145, %mul3A_149 : vector<896x200xf32>
    %slice3A_151 = vector.extract_strided_slice %div3A_14 {offsets = [0, 2], sizes = [896, 1], strides = [1, 1]} : vector<896x15xf32> to vector<896x1xf32>
    %slice3A_152 = vector.extract_strided_slice %select_n3A_138 {offsets = [0, 2], sizes = [896, 200], strides = [1, 1]} : vector<896x384xf32> to vector<896x200xf32>
    %mul3A_153 = vector.broadcast %slice3A_151 : vector<896x1xf32> to vector<896x200xf32>
    %mul3A_154 = arith.mulf %mul3A_153, %slice3A_152 : vector<896x200xf32>
    %add3A_155 = arith.addf %add3A_150, %mul3A_154 : vector<896x200xf32>
    %slice3A_156 = vector.extract_strided_slice %div3A_14 {offsets = [0, 3], sizes = [896, 1], strides = [1, 1]} : vector<896x15xf32> to vector<896x1xf32>
    %slice3A_157 = vector.extract_strided_slice %select_n3A_138 {offsets = [0, 3], sizes = [896, 200], strides = [1, 1]} : vector<896x384xf32> to vector<896x200xf32>
    %mul3A_158 = vector.broadcast %slice3A_156 : vector<896x1xf32> to vector<896x200xf32>
    %mul3A_159 = arith.mulf %mul3A_158, %slice3A_157 : vector<896x200xf32>
    %add3A_160 = arith.addf %add3A_155, %mul3A_159 : vector<896x200xf32>
    %slice3A_161 = vector.extract_strided_slice %div3A_14 {offsets = [0, 4], sizes = [896, 1], strides = [1, 1]} : vector<896x15xf32> to vector<896x1xf32>
    %slice3A_162 = vector.extract_strided_slice %select_n3A_138 {offsets = [0, 4], sizes = [896, 200], strides = [1, 1]} : vector<896x384xf32> to vector<896x200xf32>
    %mul3A_163 = vector.broadcast %slice3A_161 : vector<896x1xf32> to vector<896x200xf32>
    %mul3A_164 = arith.mulf %mul3A_163, %slice3A_162 : vector<896x200xf32>
    %add3A_165 = arith.addf %add3A_160, %mul3A_164 : vector<896x200xf32>
    %slice3A_166 = vector.extract_strided_slice %div3A_14 {offsets = [0, 5], sizes = [896, 1], strides = [1, 1]} : vector<896x15xf32> to vector<896x1xf32>
    %slice3A_167 = vector.extract_strided_slice %select_n3A_138 {offsets = [0, 5], sizes = [896, 200], strides = [1, 1]} : vector<896x384xf32> to vector<896x200xf32>
    %mul3A_168 = vector.broadcast %slice3A_166 : vector<896x1xf32> to vector<896x200xf32>
    %mul3A_169 = arith.mulf %mul3A_168, %slice3A_167 : vector<896x200xf32>
    %add3A_170 = arith.addf %add3A_165, %mul3A_169 : vector<896x200xf32>
    %slice3A_171 = vector.extract_strided_slice %div3A_14 {offsets = [0, 6], sizes = [896, 1], strides = [1, 1]} : vector<896x15xf32> to vector<896x1xf32>
    %slice3A_172 = vector.extract_strided_slice %select_n3A_138 {offsets = [0, 6], sizes = [896, 200], strides = [1, 1]} : vector<896x384xf32> to vector<896x200xf32>
    %mul3A_173 = vector.broadcast %slice3A_171 : vector<896x1xf32> to vector<896x200xf32>
    %mul3A_174 = arith.mulf %mul3A_173, %slice3A_172 : vector<896x200xf32>
    %add3A_175 = arith.addf %add3A_170, %mul3A_174 : vector<896x200xf32>
    %slice3A_176 = vector.extract_strided_slice %div3A_14 {offsets = [0, 7], sizes = [896, 1], strides = [1, 1]} : vector<896x15xf32> to vector<896x1xf32>
    %slice3A_177 = vector.extract_strided_slice %select_n3A_138 {offsets = [0, 7], sizes = [896, 200], strides = [1, 1]} : vector<896x384xf32> to vector<896x200xf32>
    %mul3A_178 = vector.broadcast %slice3A_176 : vector<896x1xf32> to vector<896x200xf32>
    %mul3A_179 = arith.mulf %mul3A_178, %slice3A_177 : vector<896x200xf32>
    %add3A_180 = arith.addf %add3A_175, %mul3A_179 : vector<896x200xf32>
    %slice3A_181 = vector.extract_strided_slice %div3A_14 {offsets = [0, 8], sizes = [896, 1], strides = [1, 1]} : vector<896x15xf32> to vector<896x1xf32>
    %slice3A_182 = vector.extract_strided_slice %select_n3A_138 {offsets = [0, 8], sizes = [896, 200], strides = [1, 1]} : vector<896x384xf32> to vector<896x200xf32>
    %mul3A_183 = vector.broadcast %slice3A_181 : vector<896x1xf32> to vector<896x200xf32>
    %mul3A_184 = arith.mulf %mul3A_183, %slice3A_182 : vector<896x200xf32>
    %add3A_185 = arith.addf %add3A_180, %mul3A_184 : vector<896x200xf32>
    %slice3A_186 = vector.extract_strided_slice %div3A_14 {offsets = [0, 9], sizes = [896, 1], strides = [1, 1]} : vector<896x15xf32> to vector<896x1xf32>
    %slice3A_187 = vector.extract_strided_slice %select_n3A_138 {offsets = [0, 9], sizes = [896, 200], strides = [1, 1]} : vector<896x384xf32> to vector<896x200xf32>
    %mul3A_188 = vector.broadcast %slice3A_186 : vector<896x1xf32> to vector<896x200xf32>
    %mul3A_189 = arith.mulf %mul3A_188, %slice3A_187 : vector<896x200xf32>
    %add3A_190 = arith.addf %add3A_185, %mul3A_189 : vector<896x200xf32>
    %slice3A_191 = vector.extract_strided_slice %div3A_14 {offsets = [0, 10], sizes = [896, 1], strides = [1, 1]} : vector<896x15xf32> to vector<896x1xf32>
    %slice3A_192 = vector.extract_strided_slice %select_n3A_138 {offsets = [0, 10], sizes = [896, 200], strides = [1, 1]} : vector<896x384xf32> to vector<896x200xf32>
    %mul3A_193 = vector.broadcast %slice3A_191 : vector<896x1xf32> to vector<896x200xf32>
    %mul3A_194 = arith.mulf %mul3A_193, %slice3A_192 : vector<896x200xf32>
    %add3A_195 = arith.addf %add3A_190, %mul3A_194 : vector<896x200xf32>
    %slice3A_196 = vector.extract_strided_slice %div3A_14 {offsets = [0, 11], sizes = [896, 1], strides = [1, 1]} : vector<896x15xf32> to vector<896x1xf32>
    %slice3A_197 = vector.extract_strided_slice %select_n3A_138 {offsets = [0, 11], sizes = [896, 200], strides = [1, 1]} : vector<896x384xf32> to vector<896x200xf32>
    %mul3A_198 = vector.broadcast %slice3A_196 : vector<896x1xf32> to vector<896x200xf32>
    %mul3A_199 = arith.mulf %mul3A_198, %slice3A_197 : vector<896x200xf32>
    %add3A_200 = arith.addf %add3A_195, %mul3A_199 : vector<896x200xf32>
    %slice3A_201 = vector.extract_strided_slice %div3A_14 {offsets = [0, 12], sizes = [896, 1], strides = [1, 1]} : vector<896x15xf32> to vector<896x1xf32>
    %slice3A_202 = vector.extract_strided_slice %select_n3A_138 {offsets = [0, 12], sizes = [896, 200], strides = [1, 1]} : vector<896x384xf32> to vector<896x200xf32>
    %mul3A_203 = vector.broadcast %slice3A_201 : vector<896x1xf32> to vector<896x200xf32>
    %mul3A_204 = arith.mulf %mul3A_203, %slice3A_202 : vector<896x200xf32>
    %add3A_205 = arith.addf %add3A_200, %mul3A_204 : vector<896x200xf32>
    %slice3A_206 = vector.extract_strided_slice %div3A_14 {offsets = [0, 13], sizes = [896, 1], strides = [1, 1]} : vector<896x15xf32> to vector<896x1xf32>
    %slice3A_207 = vector.extract_strided_slice %select_n3A_138 {offsets = [0, 13], sizes = [896, 200], strides = [1, 1]} : vector<896x384xf32> to vector<896x200xf32>
    %mul3A_208 = vector.broadcast %slice3A_206 : vector<896x1xf32> to vector<896x200xf32>
    %mul3A_209 = arith.mulf %mul3A_208, %slice3A_207 : vector<896x200xf32>
    %add3A_210 = arith.addf %add3A_205, %mul3A_209 : vector<896x200xf32>
    %slice3A_211 = vector.extract_strided_slice %div3A_14 {offsets = [0, 14], sizes = [896, 1], strides = [1, 1]} : vector<896x15xf32> to vector<896x1xf32>
    %slice3A_212 = vector.extract_strided_slice %select_n3A_138 {offsets = [0, 14], sizes = [896, 200], strides = [1, 1]} : vector<896x384xf32> to vector<896x200xf32>
    %mul3A_213 = vector.broadcast %slice3A_211 : vector<896x1xf32> to vector<896x200xf32>
    %mul3A_214 = arith.mulf %mul3A_213, %slice3A_212 : vector<896x200xf32>
    %add3A_215 = arith.addf %add3A_210, %mul3A_214 : vector<896x200xf32>
    %mul3A_216 = vector.broadcast %exp3A : vector<896x1xf32> to vector<896x200xf32>
    %mul3A_217 = arith.mulf %add3A_215, %mul3A_216 : vector<896x200xf32>
    %get3A_218 = arith.constant 0 : index
    %get3A_219 = arith.constant 0 : index
    %get3A_220 = vector.load %arg6[%get3A_218, %get3A_219] : memref<896x200xf32, #tpu.memory_space<vmem>>, vector<896x200xf32>
    %add3A_221 = arith.addf %mul3A_217, %get3A_220 : vector<896x200xf32>
    %mul3A_222 = vector.broadcast %exp3A_27 : vector<896x1xf32> to vector<896x200xf32>
    %mul3A_223 = arith.mulf %mul3A_222, %add3A_221 : vector<896x200xf32>
    %broadcast_in_dim3A_224 = arith.constant 0.000000e+00 : f32
    %broadcast_in_dim3A_225 = vector.broadcast %broadcast_in_dim3A_224 : f32 to vector<1x40xf32>
    %slice3A_226 = vector.extract_strided_slice %mul3A_223 {offsets = [0, 160], sizes = [895, 40], strides = [1, 1]} : vector<896x200xf32> to vector<895x40xf32>
    %concatenate3A_227 = tpu.concatenate %broadcast_in_dim3A_225, %slice3A_226 in 0 : vector<1x40xf32>, vector<895x40xf32> -> vector<896x40xf32>
    %eq3A = arith.constant 0 : i32
    %eq3A_228 = vector.broadcast %eq3A : i32 to vector<896x1xi32>
    %eq3A_229 = arith.cmpi eq, %rem3A_41, %eq3A_228 : vector<896x1xi32>
    %jit3A = arith.constant 0.000000e+00 : f32
    %broadcast_in_dim3A_230 = vector.shape_cast %eq3A_229 : vector<896x1xi1> to vector<896x1xi1>
    %broadcast_in_dim3A_231 = vector.broadcast %broadcast_in_dim3A_230 : vector<896x1xi1> to vector<896x40xi1>
    %broadcast_in_dim3A_232 = vector.broadcast %jit3A : f32 to vector<896x40xf32>
    %select_n3A_233 = arith.select %broadcast_in_dim3A_231, %broadcast_in_dim3A_232, %concatenate3A_227 : vector<896x40xi1>, vector<896x40xf32>
    %slice3A_234 = vector.extract_strided_slice %mul3A_223 {offsets = [0, 0], sizes = [896, 40], strides = [1, 1]} : vector<896x200xf32> to vector<896x40xf32>
    %get3A_235 = arith.constant 0 : index
    %get3A_236 = arith.constant 0 : index
    %get3A_237 = vector.load %arg9[%get3A_235, %get3A_236] : memref<1x40xf32, #tpu.memory_space<vmem>>, vector<1x40xf32>
    %mul3A_238 = vector.broadcast %get3A_237 : vector<1x40xf32> to vector<896x40xf32>
    %mul3A_239 = arith.mulf %slice3A_234, %mul3A_238 : vector<896x40xf32>
    %get3A_240 = arith.constant 0 : index
    %get3A_241 = arith.constant 0 : index
    %get3A_242 = vector.load %arg10[%get3A_240, %get3A_241] : memref<1x40xf32, #tpu.memory_space<vmem>>, vector<1x40xf32>
    %mul3A_243 = vector.broadcast %get3A_242 : vector<1x40xf32> to vector<896x40xf32>
    %mul3A_244 = arith.mulf %select_n3A_233, %mul3A_243 : vector<896x40xf32>
    %add3A_245 = arith.addf %mul3A_239, %mul3A_244 : vector<896x40xf32>
    %slice3A_246 = vector.extract_strided_slice %mul3A_223 {offsets = [0, 40], sizes = [896, 120], strides = [1, 1]} : vector<896x200xf32> to vector<896x120xf32>
    %concatenate3A_247 = tpu.concatenate %add3A_245, %slice3A_246 in 1 : vector<896x40xf32>, vector<896x120xf32> -> vector<896x160xf32>
    %swap3A = arith.constant 0 : index
    %swap3A_248 = arith.constant 0 : index
    %swap3A_249 = vector.load %arg11[%swap3A, %swap3A_248] : memref<896x160xf32, #tpu.memory_space<vmem>>, vector<896x160xf32>
    tpu.vector_store %arg11[%swap3A, %swap3A_248], %concatenate3A_247 {strides = array<i32>} : memref<896x160xf32, #tpu.memory_space<vmem>>, vector<896x160xf32>,
    return
  }
  func.func @transform_0(%arg0: i32) -> (i32, i32) {
    %c0_i32 = arith.constant 0 : i32
    %c0_i32_0 = arith.constant 0 : i32
    return %arg0, %c0_i32 : i32, i32
  }
  func.func @transform_1(%arg0: i32) -> (i32, i32) {
    %c0_i32 = arith.constant 0 : i32
    %c0_i32_0 = arith.constant 0 : i32
    return %arg0, %c0_i32 : i32, i32
  }
  func.func @transform_2(%arg0: i32) -> (i32, i32) {
    %c0_i32 = arith.constant 0 : i32
    %c0_i32_0 = arith.constant 0 : i32
    return %arg0, %c0_i32 : i32, i32
  }
  func.func @transform_3(%arg0: i32) -> (i32, i32) {
    %c0_i32 = arith.constant 0 : i32
    %c0_i32_0 = arith.constant 0 : i32
    return %arg0, %c0_i32 : i32, i32
  }
  func.func @transform_4(%arg0: i32) -> (i32, i32) {
    %c0_i32 = arith.constant 0 : i32
    %c0_i32_0 = arith.constant 0 : i32
    return %arg0, %c0_i32 : i32, i32
  }
  func.func @transform_5(%arg0: i32) -> (i32, i32) {
    %c0_i32 = arith.constant 0 : i32
    %c0_i32_0 = arith.constant 0 : i32
    return %arg0, %c0_i32 : i32, i32
  }
  func.func @transform_6(%arg0: i32) -> (i32, i32) {
    %c0_i32 = arith.constant 0 : i32
    %c0_i32_0 = arith.constant 0 : i32
    %c0_i32_1 = arith.constant 0 : i32
    return %c0_i32, %c0_i32_0 : i32, i32
  }
  func.func @transform_7(%arg0: i32) -> (i32, i32) {
    %c0_i32 = arith.constant 0 : i32
    %c0_i32_0 = arith.constant 0 : i32
    %c0_i32_1 = arith.constant 0 : i32
    return %c0_i32, %c0_i32_0 : i32, i32
  }
  func.func @transform_8(%arg0: i32) -> (i32, i32) {
    %c0_i32 = arith.constant 0 : i32
    %c0_i32_0 = arith.constant 0 : i32
    %c0_i32_1 = arith.constant 0 : i32
    return %c0_i32, %c0_i32_0 : i32, i32
  }
  func.func @transform_9(%arg0: i32) -> (i32, i32) {
    %c0_i32 = arith.constant 0 : i32
    %c0_i32_0 = arith.constant 0 : i32
    %c0_i32_1 = arith.constant 0 : i32
    return %c0_i32, %c0_i32_0 : i32, i32
  }
  func.func @transform_10(%arg0: i32) -> (i32, i32) {
    %c0_i32 = arith.constant 0 : i32
    %c0_i32_0 = arith.constant 0 : i32
    return %arg0, %c0_i32 : i32, i32
  }
}

</mosaic_0001>

<sc_bundles>
// kernel: kernel.4.cloned.1.call-start
scs
__scs_entry_jumppad:
0x0: {  	(pc) =	sbr.rel $0x88, $3  }
0x1: {  	(tag) =	ssettag $0x0;
	lr =	simm.s32 $0x1  }
0x2: {  	[smem:$0x3F97] =	sst lr;
	_ =	strace $0xD0000000  }
0x3: {  	_ = 	snop  }
0x4: {  	_ = 	snop  }
0x5: {  	_ = 	snop  }
0x6: {  	_ = 	snop  }
0x7: {  	_ = 	snop  }
__scs_overlays_trampoline_lowered:
0x8: {  	[smem:$0x3FA6] =	sst s0  }
0x9: {  	[smem:$0x3FA7] =	sst s1  }
0xa: {  	[smem:$0x3FA8] =	sst s2  }
0xb: {  	[smem:$0x3FA9] =	sst s3  }
0xc: {  	[smem:$0x3FAA] =	sst s4  }
0xd: {  	[smem:$0x3FAB] =	sst s5  }
0xe: {  	[smem:$0x3FAC] =	sst s6  }
0xf: {  	[smem:$0x3FAD] =	sst s7  }
0x10: {  	[smem:$0x3FAE] =	sst s8  }
0x11: {  	[smem:$0x3FAF] =	sst s9;
	s0 =	simm.s32 @!p0 $0x0  }
0x12: {  	s1 =	sld [smem:$0x3F95];
	s0 =	simm.s32 @p0 $0x1  }
0x13: {  	[smem:$0x3FB0] =	sst s0;
	s0 =	simm.s32 @!p1 $0x0  }
0x14: {  	s2 =	sld [smem:$0x3F94];
	s0 =	simm.s32 @p1 $0x1  }
0x15: {  	[smem:$0x3FB1] =	sst s0;
	s0 =	simm.s32 @!p2 $0x0  }
0x16: {  	s3 =	sld [smem:$0x3FDB];
	s0 =	simm.s32 @p2 $0x1  }
0x17: {  	s4 =	simm.s32 $0x1BF5;
	[smem:$0x3FB3] =	sst s0  }
0x18: {  	s0 =	sld [smem:$0x3F96];
	_ =	swait.ge [sflag:s4], $0x0  }
0x19: {  	s7 =	sld [smem:$0x3F97]  }
0x1a: {  	s8 =	sadd.s32 $0xFFFFE003, lr  }
0x1b: {  	s9 =	sadd.s32 $0xFFFFFEF7, lr;
	s5 =	simm.s32 $0xFFFFFFFF;
	p2 =	slt.u32 s8, $0xFFFFF086  }
0x1c: {  	p1 =	slt.u32 s9, $0xF7A;
	s5 =	simm.s32 @!p2 $0x0  }
0x1d: {  	s5 =	simm.s32 @p1 $0x1;
	p0 =	seq.s32 s7, s2  }
0x1e: {  	s7 =	smul.u32 @!p0 $0xF7A, s2;
	p2 =	seq.s32 @!p0 s5, $0x0  }
0x1f: {  	s9 =	smul.u32 $0xF7A, s1;
	s8 =	simm.s32 @!p0 $0x1BF5;
	p2 =	por !p2, p0  }
0x20: {  	[sflag:s8] =	ssyncset.s32 @!p0 $0xFFFFF086;
	s6 =	sadd.s32 @!p0 s3, s7;
	s7 =	simm.s32 @!p0 $0x108  }
0x21: {  	s3 =	sadd.s32 s3, s9;
	s6 =	sadd.s32 @!p0 $0x88, s6;
	s7 =	simm.s32 @p2 $0x1082  }
0x22: {  	[simem:s7], [sflag:s8] =	dma.local @!p0 [hbm:s6], $0xF7A  }
0x23: {  	s9 =	sor.u32 $0xD0000000, s2;
	s6 =	simm.s32 $0x108;
	_ =	swait.ge @!p0 [sflag:s8], $0x0  }
0x24: {  	s3 =	sadd.s32 $0x88, s3;
	s6 =	simm.s32 @!p1 $0x1082;
	[sflag:s4] =	ssyncset.s32 $0xFFFFF086  }
0x25: {  	[simem:s6], [sflag:s4] =	dma.local [hbm:s3], $0xF7A  }
0x26: {  	[smem:$0x3F97] =	sst s1;
	(tag) =	ssettag s2;
	_ =	strace s9  }
0x27: {  	s1 =	sld [smem:$0x3FA7]  }
0x28: {  	s2 =	sld [smem:$0x3FA8]  }
0x29: {  	s4 =	sld [smem:$0x3FAA]  }
0x2a: {  	p0 =	seq.s32 s5, $0x0;
	s5 =	sld [smem:$0x3FAB]  }
0x2b: {  	s6 =	sld [smem:$0x3FAC]  }
0x2c: {  	s7 =	sld [smem:$0x3FAD]  }
0x2d: {  	s3 =	simm.s32 $0x108;
	s8 =	sld [smem:$0x3FAE]  }
0x2e: {  	s3 =	simm.s32 @!p0 $0x1082;
	s9 =	sld [smem:$0x3FAF]  }
0x2f: {  	lr =	sadd.s32 s0, s3;
	s0 =	sld [smem:$0x3FA6]  }
0x30: {  	s3 =	sld [smem:$0x3FA9]  }
0x31: {  	[smem:$0x3FB2] =	sst s10  }
0x32: {  	s10 =	sld [smem:$0x3FB0];
	_ =	sdelay $0x3  }
0x33: {  	p0 =	seq.s32 s10, $0x1;
	s10 =	sld [smem:$0x3FB2];
	_ =	sdelay $0x3  }
0x34: {  	[smem:$0x3FB2] =	sst s10  }
0x35: {  	s10 =	sld [smem:$0x3FB1];
	_ =	sdelay $0x3  }
0x36: {  	p1 =	seq.s32 s10, $0x1;
	s10 =	sld [smem:$0x3FB2];
	_ =	sdelay $0x3  }
0x37: {  	[smem:$0x3FB2] =	sst s10  }
0x38: {  	s10 =	sld [smem:$0x3FB3]  }
0x39: {  	_ = 	snop;
	(pc) =	sbr.ind lr, $3  }
0x3a: {  	_ = 	snop  }
0x3b: {  	_ = 	snop  }
0x3c: {  	p2 =	seq.s32 s10, $0x1;
	s10 =	sld [smem:$0x3FB2]  }
0x3d: {  	_ =	shalt  }
0x3e: {  	_ =	shalt  }
0x3f: {  	_ =	shalt  }
0x40: {  	_ =	shalt  }
0x41: {  	_ =	shalt  }
0x42: {  	_ =	shalt  }
0x43: {  	_ =	shalt  }
0x44: {  	_ =	shalt  }
0x45: {  	_ =	shalt  }
0x46: {  	_ =	shalt  }
0x47: {  	_ =	shalt  }
0x48: {  	_ =	shalt  }
0x49: {  	_ =	shalt  }
0x4a: {  	_ =	shalt  }
0x4b: {  	_ =	shalt  }
0x4c: {  	_ =	shalt  }
0x4d: {  	_ =	shalt  }
0x4e: {  	_ =	shalt  }
0x4f: {  	_ =	shalt  }
0x50: {  	_ =	shalt  }
0x51: {  	_ =	shalt  }
0x52: {  	_ =	shalt  }
0x53: {  	_ =	shalt  }
0x54: {  	_ =	shalt  }
0x55: {  	_ =	shalt  }
0x56: {  	_ =	shalt  }
0x57: {  	_ =	shalt  }
0x58: {  	_ =	shalt  }
0x59: {  	_ =	shalt  }
0x5a: {  	_ =	shalt  }
0x5b: {  	_ =	shalt  }
0x5c: {  	_ =	shalt  }
0x5d: {  	_ =	shalt  }
0x5e: {  	_ =	shalt  }
0x5f: {  	_ =	shalt  }
0x60: {  	_ =	shalt  }
0x61: {  	_ =	shalt  }
0x62: {  	_ =	shalt  }
0x63: {  	_ =	shalt  }
0x64: {  	_ =	shalt  }
0x65: {  	_ =	shalt  }
0x66: {  	_ =	shalt  }
0x67: {  	_ =	shalt  }
0x68: {  	_ =	shalt  }
0x69: {  	_ =	shalt  }
0x6a: {  	_ =	shalt  }
0x6b: {  	_ =	shalt  }
0x6c: {  	_ =	shalt  }
0x6d: {  	_ =	shalt  }
0x6e: {  	_ =	shalt  }
0x6f: {  	_ =	shalt  }
0x70: {  	_ =	shalt  }
0x71: {  	_ =	shalt  }
0x72: {  	_ =	shalt  }
0x73: {  	_ =	shalt  }
0x74: {  	_ =	shalt  }
0x75: {  	_ =	shalt  }
0x76: {  	_ =	shalt  }
0x77: {  	_ =	shalt  }
0x78: {  	_ =	shalt  }
0x79: {  	_ =	shalt  }
0x7a: {  	_ =	shalt  }
0x7b: {  	_ =	shalt  }
0x7c: {  	_ =	shalt  }
0x7d: {  	_ =	shalt  }
0x7e: {  	_ =	shalt  }
0x7f: {  	_ =	shalt  }
0x80: {  	_ =	shalt  }
0x81: {  	_ =	shalt  }
0x82: {  	_ =	shalt  }
0x83: {  	_ =	shalt  }
0x84: {  	_ =	shalt  }
0x85: {  	_ =	shalt  }
0x86: {  	_ =	shalt  }
0x87: {  	_ =	shalt  }
.Lfunc_end0:
.L_simem_size_0:
called_computation_lowered:
.L_overlay_start_0:
0x88: {  	s0 =	sld [smem:$0x3FD9]  }
0x89: {  	s1 =	sld [smem:$0x3FFE];
	_ =	sdelay $0x3  }
0x8a: {  	s0 =	sadd.s32 s1, s0  }
0x8b: {  	[smem:$0x3FBE] =	sst s0  }
0x8c: {  	_ = 	snop  }
0x8d: {  	s0 =	sld [smem:$0x3FD0];
	(tm) =	ssettm $0x1  }
0x8e: {  	s16 =	sld [smem:$0x3FFB];
	_ =	sdelay $0x3  }
0x8f: {  	_ =	strace s16  }
0x90: {  	s1 =	sld [smem:$0x3FFC];
	_ =	sdelay $0x3  }
0x91: {  	_ =	strace s1  }
0x92: {  	s1 =	sld [smem:$0x3FFD];
	_ =	sdelay $0x3  }
0x93: {  	_ =	strace s1  }
0x94: {  	_ =	strace $0x8FFFFFFF  }
0x95: {  	s17 =	sld [smem:$0x3FDB];
	_ =	sdelay $0x1  }
0x96: {  	s2 =	simm.s32 $_scs_section_size  }
0x97: {  	s3 =	simm.s32 $_size__tile_overlayer_lowered;
	s4 =	simm.s32 $_tile_overlayer_lowered  }
0x98: {  	s20 =	simm.s32 $0x1BFF;
	s19 =	sshll.u32 s4, $0x1;
	s1 =	sadd.s32 s2, s17  }
0x99: {  	s5 =	simm.s32 $0x0;
	s18 =	sshll.u32 s3, $0x1;
	s3 =	sadd.s32 s19, s1  }
0x9a: {  	[timem:s5], [sflag:s20] =	dma.local [hbm:s3], s18  }
0x9b: {  	_ =	swait.ge [sflag:s20], s18  }
0x9c: {  	s2 =	ssub.s32 $0x0, s18;
	[sflag:s20] =	ssyncset.done $0x0  }
0x9d: {  	[sflag:s20] =	ssyncadd.s32 s2;
	_ =	sdelay $0x1  }
0x9e: {  	s21 =	simm.s32 $0x1B8B  }
0x9f: {  	_ =	swait.ge [sflag:s21], $0x1  }
0xa0: {  	[sflag:s21] =	ssyncset.done $0x0  }
0xa1: {  	s23 =	simm.s32 $0x1B8E;
	s22 =	sld [smem:$0x3FFE];
	[sflag:s21] =	ssyncadd.s32 $0xFFFFFFFF  }
0xa2: {  	s24 =	simm.s32 $execute0_lowered;
	[smem:$0x3FD2] =	sst s23  }
0xa3: {  	s3 =	sshll.u32 s24, $0x1;
	_ =	strace $0x80000046;
	[dreg:$0x1] =	wrdreg $0xFFFFFFFF  }
0xa4: {  	s25 =	simm.s32 $_size_execute0_lowered;
	s1 =	sadd.s32 s1, s3;
	[dreg:$0x0] =	wrdreg $0x0  }
0xa5: {  	s3 =	sshll.u32 s25, $0x1;
	[dreg:$0x2] =	wrdreg s1  }
0xa6: {  	[dreg:$0x3] =	wrdreg s3  }
0xa7: {  	[dreg:$0x4] =	wrdreg $0xC0  }
0xa8: {  	_ =	task [dreg:s5], $0x5FFFF  }
0xa9: {  	[dreg:$0x1] =	wrdreg $0xFFFFFFFF  }
0xaa: {  	[dreg:$0x0] =	wrdreg $0x60  }
0xab: {  	[dreg:$0x2] =	wrdreg s22  }
0xac: {  	[dreg:$0x3] =	wrdreg s0  }
0xad: {  	[dreg:$0x4] =	wrdreg $0x9  }
0xae: {  	_ =	task.clear_ibuf [dreg:s5], $0x5FFFF;
	_ =	strace $0x90000046  }
0xaf: {  	s26 =	simm.s32 $0x9;
	_ =	strace $0x80000048  }
0xb0: {  	_ =	swait.ge [sflag:s26], $0x1  }
0xb1: {  	[sflag:s26] =	ssyncadd.s32 $0xFFFFFFFF  }
0xb2: {  	_ =	strace $0x90000048  }
0xb3: {  	_ =	sfence  }
0xb4: {  	s28 =	sld [smem:$0x0];
	_ =	sdelay $0x1  }
0xb5: {  	s29 =	srdreg.scid  }
0xb6: {  	s30 =	sshll.u32 s29, $0xD;
	s31 =	sshrl.u32 s29, $0x2  }
0xb7: {  	s2 =	sand.u32 $0x4000, s30;
	s1 =	sand.u32 $0x1, s29;
	s0 =	sadd.s32 s31, s28  }
0xb8: {  	s1 =	sor.u32 s2, s1;
	s0 =	sshll.u32 s0, $0x11  }
0xb9: {  	s0 =	sor.u32 s0, s1  }
0xba: {  	s0 =	sadd.s32 $0x8F2B, s0  }
0xbb: {  	[sflag:s0] =	ssyncadd.remote.s32 $0x1  }
0xbc: {  	_ =	sfence.sel $0xFFFF  }
0xbd: {  	[dreg:$0x0] =	wrdreg $0xFFFFFFFF;
	(pc) =	sbr.abs _section_cstart, $3  }
0xbe: {  	[dreg:$0x1] =	wrdreg $0xFFFFFFFF  }
0xbf: {  	_ =	task.clear_ibuf [dreg:s5], $0x2FFFF;
	_ =	strace $0x9FFFFFFF  }
0xc0: {  	(tm) =	ssettm $0x7FFFFFFF  }
0xc1: {  	_ =	shalt  }
tec
execute0_lowered:
.L_overlay_start_1:
0x0: {  	(tag) =	ssettag $0x1  }
0x1: {  	s5 =	rddreg [dreg:$0x0]  }
0x2: {  	s4 =	rddreg [dreg:$0x1];
	s1 =	stileid.u32  }
0x3: {  	s0 =	rddreg [dreg:$0x2];
	s2 =	simm.s32 $0x0;
	s3 =	sshll.u32 s1, $0x5  }
0x4: {  	[smem:$0x7FF] =	sst s2;
	s3 =	sadd.s32 s3, s5  }
0x5: {  	s16 =	simm.s32 $0x2;
	_ =	strace $0x80000047;
	s3 =	sadd.s32 $0x11E00, s3  }
0x6: {  	[tilespmem:s2], [sflag:$0x2] =	stream.linear.gather [hbm4b:s3+s2], $0x100, $0x38;
	[tilespmem:$0x18400] =	vst v63  }
0x7: {  	_ =	swait.ge [sflag:s16], $0x100  }
0x8: {  	[sflag:s16] =	ssyncset.done $0x0  }
0x9: {  	[sflag:s16] =	ssyncadd.s32 $0xFFFFFF00  }
0xa: {  	v0 =	vld [tilespmem:$0x0]  }
0xb: {  	v1 =	vimm.s32 $0x0;
	v2 =	vlaneseq.u32;
	v3 =	vld [tilespmem:$0x10]  }
0xc: {  	v2 =	vmul.u32 $0xA0, v2;
	[tilespmem:$0x3A0] =	vst v1;
	v5 =	vld [tilespmem:$0x20]  }
0xd: {  	[tilespmem:$0x3B0] =	vst v1;
	v39 =	vld [tilespmem:$0x80]  }
0xe: {  	v4 =	vadd.s32 $0x100, v2;
	[tilespmem:$0x3C0] =	vst v1;
	v43 =	vld [tilespmem:$0x90]  }
0xf: {  	s7 =	smul.u32 $0x102, s1;
	v26 =	vadd.s32 $0xB00, v2;
	v29 =	vadd.s32 $0x1500, v2;
	[tilespmem:$0x3D0] =	vst v1;
	v53 =	vld [tilespmem:$0xD0];
	v0 =	vsub.s32 v4, v0  }
0x10: {  	v37 =	vadd.s32 $0x3300, v2;
	[tilespmem:$0x3E0] =	vst v1;
	v3 =	vsub.s32 v26, v3;
	v0 =	vshrl.u32 v0, $0x7  }
0x11: {  	s6 =	sshllo.u32 s1, $0x1;
	[tilespmem:$0x3F0] =	vst v1;
	v5 =	vsub.s32 v29, v5;
	v3 =	vshrl.u32 v3, $0x7;
	v0 =	vadd.s32 s7, v0  }
0x12: {  	s17 =	smul.u32 $0x81, s6;
	v4 =	vsub.s32 v4, v39;
	v5 =	vshrl.u32 v5, $0x7;
	v28 =	vadd.s32 s7, v3;
	[tilespmem:$0x100] =	vst v0  }
0x13: {  	v1 =	vsub.s32 v26, v43;
	v4 =	vshrl.u32 v4, $0x7;
	v31 =	vadd.s32 s7, v5;
	[tilespmem:$0x110] =	vst v28  }
0x14: {  	v58 =	vsub.s32 v37, v53;
	v1 =	vshrl.u32 v1, $0x7;
	v46 =	vadd.s32 s17, v4;
	[tilespmem:$0x120] =	vst v31  }
0x15: {  	v59 =	vshrl.u32 v58, $0x7;
	v48 =	vadd.s32 s17, v1;
	[tilespmem:$0x250] =	vst v46  }
0x16: {  	v60 =	vadd.s32 s17, v59;
	[tilespmem:$0x260] =	vst v48  }
0x17: {  	v6 =	vadd.s32 $0x1, v0;
	[tilespmem:$0x2A0] =	vst v60  }
0x18: {  	v45 =	vld [tilespmem:$0xA0];
	v0 =	vadd.s32 $0x2, v0;
	[tilespmem:$0x170] =	vst v6  }
0x19: {  	v7 =	vadd.s32 $0x1, v28;
	[tilespmem:$0x1E0] =	vst v0  }
0x1a: {  	v8 =	vadd.s32 $0x1, v31;
	[tilespmem:$0x180] =	vst v7  }
0x1b: {  	v50 =	vld [tilespmem:$0xC0];
	v4 =	vadd.s32 $0x1, v46;
	[tilespmem:$0x190] =	vst v8  }
0x1c: {  	v27 =	vld [tilespmem:$0x30];
	v1 =	vadd.s32 $0x1, v48;
	[tilespmem:$0x2C0] =	vst v4  }
0x1d: {  	v30 =	vld [tilespmem:$0x40];
	v3 =	vsub.s32 v29, v45;
	v62 =	vadd.s32 $0x1, v60;
	[tilespmem:$0x2D0] =	vst v1  }
0x1e: {  	v33 =	vld [tilespmem:$0x50];
	v49 =	vshrl.u32 v3, $0x7;
	v0 =	vadd.s32 $0x2, v28;
	[tilespmem:$0x310] =	vst v62  }
0x1f: {  	v35 =	vadd.s32 $0x2900, v2;
	v47 =	vld [tilespmem:$0xB0];
	v51 =	vadd.s32 s17, v49;
	[tilespmem:$0x1F0] =	vst v0  }
0x20: {  	v32 =	vadd.s32 $0x1F00, v2;
	v3 =	vsub.s32 v35, v50;
	v0 =	vadd.s32 $0x2, v31;
	[tilespmem:$0x270] =	vst v51  }
0x21: {  	v6 =	vsub.s32 v32, v27;
	v56 =	vshrl.u32 v3, $0x7;
	v1 =	vadd.s32 $0x1, v51;
	[tilespmem:$0x200] =	vst v0  }
0x22: {  	v7 =	vsub.s32 v35, v30;
	v6 =	vshrl.u32 v6, $0x7;
	v57 =	vadd.s32 s17, v56;
	[tilespmem:$0x2E0] =	vst v1  }
0x23: {  	v8 =	vsub.s32 v37, v33;
	v7 =	vshrl.u32 v7, $0x7;
	v34 =	vadd.s32 s7, v6;
	[tilespmem:$0x290] =	vst v57  }
0x24: {  	v4 =	vsub.s32 v32, v47;
	v8 =	vshrl.u32 v8, $0x7;
	v36 =	vadd.s32 s7, v7;
	[tilespmem:$0x130] =	vst v34  }
0x25: {  	v10 =	vld [tilespmem:$0x60];
	v52 =	vshrl.u32 v4, $0x7;
	v40 =	vadd.s32 s7, v8;
	[tilespmem:$0x140] =	vst v36  }
0x26: {  	v54 =	vadd.s32 s17, v52;
	[tilespmem:$0x150] =	vst v40  }
0x27: {  	v9 =	vadd.s32 $0x1, v34;
	[tilespmem:$0x280] =	vst v54  }
0x28: {  	v0 =	vadd.s32 $0x2, v34;
	[tilespmem:$0x1A0] =	vst v9  }
0x29: {  	v2 =	vadd.s32 $0x3D00, v2;
	v38 =	vadd.s32 $0x1, v36;
	[tilespmem:$0x210] =	vst v0  }
0x2a: {  	v41 =	vsub.s32 v2, v10;
	v42 =	vadd.s32 $0x1, v40;
	[tilespmem:$0x1B0] =	vst v38  }
0x2b: {  	v55 =	vld [tilespmem:$0xE0];
	v8 =	vshrl.u32 v41, $0x7;
	v1 =	vadd.s32 $0x1, v54;
	[tilespmem:$0x1C0] =	vst v42  }
0x2c: {  	vm0 =	vcmask $0x3F10;
	v8 =	vadd.s32 s7, v8;
	v0 =	vadd.s32 $0x2, v36;
	[tilespmem:$0x2F0] =	vst v1  }
0x2d: {  	v44 =	vsel vm0, s7, v8;
	[tilespmem:$0x220] =	vst v0  }
0x2e: {  	v1 =	vadd.s32 $0x1, v57;
	[tilespmem:$0x160] =	vst v44  }
0x2f: {  	v0 =	vadd.s32 $0x2, v40;
	[tilespmem:$0x300] =	vst v1  }
0x30: {  	v61 =	vsub.s32 v2, v55;
	v8 =	vadd.s32 $0x1, v44;
	[tilespmem:$0x230] =	vst v0  }
0x31: {  	v1 =	vshrl.u32 v61, $0x7;
	[tilespmem:$0x1D0] =	vst v8;
	v0 =	vadd.s32 $0x2, v44  }
0x32: {  	v1 =	vadd.s32 s17, v1;
	[tilespmem:$0x240] =	vst v0;
	v0 =	vadd.s32 $0x2, v46  }
0x33: {  	v63 =	vsel vm0, s17, v1;
	[tilespmem:$0x330] =	vst v0  }
0x34: {  	v0 =	vadd.s32 $0x2, v48;
	[tilespmem:$0x2B0] =	vst v63  }
0x35: {  	v1 =	vadd.s32 $0x1, v63;
	[tilespmem:$0x340] =	vst v0  }
0x36: {  	v0 =	vadd.s32 $0x2, v51;
	[tilespmem:$0x320] =	vst v1  }
0x37: {  	[tilespmem:$0x350] =	vst v0;
	v0 =	vadd.s32 $0x2, v54  }
0x38: {  	[tilespmem:$0x360] =	vst v0;
	v0 =	vadd.s32 $0x2, v57  }
0x39: {  	[tilespmem:$0x370] =	vst v0;
	v0 =	vadd.s32 $0x2, v60  }
0x3a: {  	s8 =	simm.s32 $0x300;
	s9 =	simm.s32 $0x100;
	[tilespmem:$0x380] =	vst v0;
	v0 =	vadd.s32 $0x2, v63  }
0x3b: {  	s10 =	simm.s32 $0x400;
	s19 =	simm.s32 $0x1;
	s18 =	sadd.s32 $0x1C00, s5;
	[tilespmem:$0x390] =	vst v0  }
0x3c: {  	[tilespmem:s10], [sflag:$0x1] =	stream.indirect.gather [hbm4b:s18+s8], $0x80, s9, s8, $0xb8;
	[tilespmem:$0x18400] =	vst v63  }
0x3d: {  	s20 =	smul.u32 $0xE00, s1;
	_ =	swait.ge [sflag:s19], $0x18000  }
0x3e: {  	[sflag:s19] =	ssyncset.done $0x0  }
0x3f: {  	s21 =	sadd.s32 s4, s20;
	[sflag:s19] =	ssyncadd.s32 $0xFFFE8000  }
0x40: {  	[hbm4b:s21+s2] =	stream.linear.scatter [tilespmem:s10], [sflag:$0x2], $0x3800, $0x38;
	[tilespmem:$0x18400] =	vst v63  }
0x41: {  	_ =	swait.ge [sflag:s16], $0x3800  }
0x42: {  	s22 =	sadd.s32 $0x12000, s5;
	[sflag:s16] =	ssyncset.done $0x0  }
0x43: {  	s24 =	simm.s32 $0x3C00;
	s23 =	sadd.s32 s22, s20;
	[sflag:s16] =	ssyncadd.s32 $0xFFFFC800  }
0x44: {  	[hbm4b:s23+s2] =	stream.linear.scatter [tilespmem:s24], [sflag:$0x2], $0x3800, $0x38;
	[tilespmem:$0x18400] =	vst v63  }
0x45: {  	_ =	swait.ge [sflag:s16], $0x3800  }
0x46: {  	s5 =	sadd.s32 $0x20000, s5;
	[sflag:s16] =	ssyncset.done $0x0  }
0x47: {  	s25 =	simm.s32 $0x7400;
	s8 =	sadd.s32 s5, s20;
	[sflag:s16] =	ssyncadd.s32 $0xFFFFC800  }
0x48: {  	[hbm4b:s8+s2] =	stream.linear.scatter [tilespmem:s25], [sflag:$0x2], $0x3800, $0x38;
	[tilespmem:$0x18400] =	vst v63  }
0x49: {  	s6 =	smul.u32 $0x700, s6;
	_ =	swait.ge [sflag:s16], $0x3800  }
0x4a: {  	[sflag:s16] =	ssyncset.done $0x0  }
0x4b: {  	s26 =	simm.s32 $0xAC00;
	s4 =	sadd.s32 s4, s6;
	[sflag:s16] =	ssyncadd.s32 $0xFFFFC800  }
0x4c: {  	[hbm4b:s4+s2] =	stream.linear.scatter [tilespmem:s26], [sflag:$0x2], $0x3800, $0x38;
	[tilespmem:$0x18400] =	vst v63  }
0x4d: {  	_ =	swait.ge [sflag:s16], $0x3800  }
0x4e: {  	[sflag:s16] =	ssyncset.done $0x0  }
0x4f: {  	s29 =	simm.s32 $0xE400;
	s28 =	sadd.s32 s22, s6;
	[sflag:s16] =	ssyncadd.s32 $0xFFFFC800  }
0x50: {  	[hbm4b:s28+s2] =	stream.linear.scatter [tilespmem:s29], [sflag:$0x2], $0x3800, $0x38;
	[tilespmem:$0x18400] =	vst v63  }
0x51: {  	_ =	swait.ge [sflag:s16], $0x3800  }
0x52: {  	[sflag:s16] =	ssyncset.done $0x0  }
0x53: {  	s31 =	simm.s32 $0x11C00;
	s30 =	sadd.s32 s5, s6;
	[sflag:s16] =	ssyncadd.s32 $0xFFFFC800  }
0x54: {  	[hbm4b:s30+s2] =	stream.linear.scatter [tilespmem:s31], [sflag:$0x2], $0x3800, $0x38;
	[tilespmem:$0x18400] =	vst v63  }
0x55: {  	_ =	swait.ge [sflag:s16], $0x3800  }
0x56: {  	[sflag:s16] =	ssyncset.done $0x0  }
0x57: {  	[sflag:s16] =	ssyncadd.s32 $0xFFFFC800  }
0x58: {  	_ =	sfence.sel $0x180000  }
0x59: {  	[bflag:$0x0] =	sbarrier.arrive $0xFFFF  }
0x5a: {  	p0 =	sne.s32 s1, $0x0;
	_ =	strace $0x90000047  }
0x5b: {  	s0 =	sadd.s32 @!p0 $0x100000, s0;
	[bflag:$0x2] =	sbarrier.arrive $0xFFFF  }
0x5c: {  	[sflag:s0] =	ssyncadd.tile.s32 @!p0 $0x1;
	_ =	shalt  }
.Lfunc_end2:
_tile_overlayer_lowered:
.L_overlay_start_2:
0x5d: {  	(tag) =	ssettag $0x2  }
0x5e: {  	s0 =	rddreg [dreg:$0x0];
	s2 =	stileid.u32  }
0x5f: {  	s1 =	rddreg [dreg:$0x1];
	p0 =	sne.s32 s2, $0x0  }
0x60: {  	s3 =	rddreg [dreg:$0x2];
	[bflag:$0x3] =	sbarrier.arrive $0xFFFF;
	s2 =	simm.s32 @!p0 $0x1C02  }
0x61: {  	[timem:s3], [sflag:s2] =	dma.local @!p0 [hbm:s0], s1  }
0x62: {  	s0 =	simm.s32 @!p0 $0x2  }
0x63: {  	_ =	swait.ge @!p0 [sflag:s0], s1  }
0x64: {  	s1 =	ssub.s32 @!p0 $0x0, s1;
	[sflag:s0] =	ssyncset.done @!p0 $0x0  }
0x65: {  	[sflag:s0] =	ssyncadd.s32 @!p0 s1  }
0x66: {  	[bflag:$0x3] =	sbarrier.arrive $0xFFFF  }
0x67: {  	_ =	shalt  }

</sc_bundles>
